<compile_context>
chip_gen: v7x
topology: tpu7x:2x2x1
jax: 0.10.2.dev20260603
libtpu: 0.0.44.dev20260713+nightly
codegen_flags: <defaults>
</compile_context>

<pallas_src>
import functools

import jax
import jax.numpy as jnp
from jax import lax
from jax.experimental import pallas as pl
from jax.experimental.pallas import tpu as pltpu
from jax.experimental.pallas import tpu_sc as plsc

N_EXPERTS = 8
TOP_K = 2
N_TOKENS = 32768
D_MODEL = 768

_NC = 2
_NS = 16
_NW = _NC * _NS
_CHUNKS = 1


def _scores_kernel(x_ref, w_ref, s_ref):
    x = x_ref[...]
    w = w_ref[...]
    k2 = D_MODEL // 2
    a = lax.dot_general(w[:, :k2], x[:, :k2], (((1,), (1,)), ((), ())),
                        preferred_element_type=jnp.float32)
    c = lax.dot_general(w[:, k2:], x[:, k2:], (((1,), (1,)), ((), ())),
                        preferred_element_type=jnp.float32)
    s_ref[...] = a + c


def _router_body(s_hbm, b_hbm, wout_hbm, iout_hbm, sbuf, bbuf, wbuf, ibuf,
                 *, tok_per_tile):
    wid = lax.axis_index("s") * _NC + lax.axis_index("c")
    base = wid * tok_per_tile
    pltpu.sync_copy(s_hbm.at[:, pl.ds(base, tok_per_tile)], sbuf)
    pltpu.sync_copy(b_hbm, bbuf)

    @plsc.parallel_loop(0, tok_per_tile // 16, unroll=8)
    def group(g):
        off = g * 16
        s = [sbuf[e, pl.ds(off, 16)] for e in range(N_EXPERTS)]
        ex = [jnp.exp(v) for v in s]
        den = (((ex[0] + ex[1]) + (ex[2] + ex[3]))
               + ((ex[4] + ex[5]) + (ex[6] + ex[7])))
        inv = 1.0 / den
        sb = [ex[e] * inv + bbuf[e] for e in range(N_EXPERTS)]
        m1 = sb[0]
        i1 = jnp.zeros(16, jnp.int32)
        for e in range(1, N_EXPERTS):
            upd = sb[e] > m1
            m1 = jnp.where(upd, sb[e], m1)
            i1 = jnp.where(upd, e, i1)
        m2 = jnp.full(16, -jnp.inf, jnp.float32)
        i2 = jnp.zeros(16, jnp.int32)
        for e in range(N_EXPERTS):
            upd = (i1 != e) & (sb[e] > m2)
            m2 = jnp.where(upd, sb[e], m2)
            i2 = jnp.where(upd, e, i2)
        w1 = ex[0]
        w2 = ex[0]
        for e in range(1, N_EXPERTS):
            w1 = jnp.where(i1 == e, ex[e], w1)
            w2 = jnp.where(i2 == e, ex[e], w2)
        wbuf[0, pl.ds(off, 16)] = w1 * inv
        wbuf[1, pl.ds(off, 16)] = w2 * inv
        ibuf[0, pl.ds(off, 16)] = i1
        ibuf[1, pl.ds(off, 16)] = i2

    pltpu.sync_copy(wbuf, wout_hbm.at[:, pl.ds(base, tok_per_tile)])
    pltpu.sync_copy(ibuf, iout_hbm.at[:, pl.ds(base, tok_per_tile)])


@jax.jit
def kernel(x, W, b):
    n_tokens, d_model = x.shape
    block = 4096
    chunk = n_tokens // _CHUNKS
    tok_per_tile = chunk // _NW

    b_tiled = jnp.broadcast_to(b.reshape(N_EXPERTS, 1), (N_EXPERTS, 16))

    router = pl.kernel(
        functools.partial(_router_body, tok_per_tile=tok_per_tile),
        out_type=[
            jax.ShapeDtypeStruct((TOP_K, chunk), jnp.float32),
            jax.ShapeDtypeStruct((TOP_K, chunk), jnp.int32),
        ],
        mesh=plsc.VectorSubcoreMesh(core_axis_name="c", subcore_axis_name="s"),
        scratch_types=[
            pltpu.VMEM((N_EXPERTS, tok_per_tile), jnp.float32),
            pltpu.VMEM((N_EXPERTS, 16), jnp.float32),
            pltpu.VMEM((TOP_K, tok_per_tile), jnp.float32),
            pltpu.VMEM((TOP_K, tok_per_tile), jnp.int32),
        ],
    )

    w_parts, i_parts = [], []
    for ci in range(_CHUNKS):
        xi = lax.slice_in_dim(x, ci * chunk, (ci + 1) * chunk, axis=0)
        scores_t = pl.pallas_call(
            _scores_kernel,
            grid=(chunk // block,),
            in_specs=[
                pl.BlockSpec((block, d_model), lambda i: (i, 0)),
                pl.BlockSpec((N_EXPERTS, d_model), lambda i: (0, 0)),
            ],
            out_specs=pl.BlockSpec((N_EXPERTS, block), lambda i: (0, i)),
            out_shape=jax.ShapeDtypeStruct((N_EXPERTS, chunk), jnp.float32),
        )(xi, W)
        w_t, i_t = router(scores_t, b_tiled)
        w_parts.append(w_t)
        i_parts.append(i_t)

    weights = jnp.concatenate(w_parts, axis=1).T
    indices = jnp.concatenate(i_parts, axis=1).T
    return weights, indices

# --- scband reference (transcript-rebuilt; emitter-appended) ---
"""Pipeline reference for scband-gate-28922309771625 (READ-ONLY COPY).

The authoritative reference and input builder live on the scoring server;
editing this copy changes nothing except your own understanding.
"""

import jax, jax.numpy as jnp
import numpy as np

N_EXPERTS = 8
TOP_K = 2
D_MODEL = 768
N_TOKENS = 32768
ROUTE_SCALE = 1.0


def setup_inputs(seed: int = 0) -> dict:
    key = jax.random.key(seed)
    kx, kw = jax.random.split(key)
    x = jax.random.normal(kx, (N_TOKENS, D_MODEL), dtype=jnp.float32)
    # xavier_normal_ for weight [E, dim]: std = sqrt(2 / (fan_in + fan_out))
    std = float(np.sqrt(2.0 / (N_EXPERTS + D_MODEL)))
    W = jax.random.normal(kw, (N_EXPERTS, D_MODEL), dtype=jnp.float32) * std
    b = jnp.zeros((N_EXPERTS,), dtype=jnp.float32)
    return {"x": x, "W": W, "b": b}


def reference(x, W, b):
    # scores = linear(x, weight)
    scores = x @ W.T
    # score_func == 'softmax', computed in float32
    scores = jax.nn.softmax(scores.astype(jnp.float32), axis=-1)
    original_scores = scores
    # bias is not None -> add bias
    scores = scores + b
    # n_groups == 1 -> no group masking
    _, indices = jax.lax.top_k(scores, TOP_K)
    weights = jnp.take_along_axis(original_scores, indices, axis=1)
    # score_func is softmax -> no renormalization
    weights = weights * ROUTE_SCALE
    return weights.astype(x.dtype), indices

if __name__ == "__main__":
    import jax
    _d = setup_inputs()
    print(jax.jit(kernel)(*tuple(_d.values())))

</pallas_src>

<mosaic_0001>
#map = affine_map<(d0, d1) -> (0, 0)>
module attributes {stable_mosaic.version = 14 : i64} {
  func.func @_router_body(%arg0: i32, %arg1: i32, %arg2: memref<8x32768xf32, #tpu.memory_space<hbm>>, %arg3: memref<8x16xf32, #tpu.memory_space<hbm>>, %arg4: memref<2x32768xf32, #tpu.memory_space<hbm>>, %arg5: memref<2x32768xi32, #tpu.memory_space<hbm>>, %arg6: memref<8x1024xf32, #tpu.memory_space<vmem>>, %arg7: memref<8x16xf32, #tpu.memory_space<vmem>>, %arg8: memref<2x1024xf32, #tpu.memory_space<vmem>>, %arg9: memref<2x1024xi32, #tpu.memory_space<vmem>>) attributes {dimension_semantics = [#tpu.dimension_semantics<core_parallel>, #tpu.dimension_semantics<subcore_parallel>], iteration_bounds = array<i64: 2, 16>, scalar_prefetch = 0 : i64, scratch_operands = 4 : i64, tpu.core_type = #tpu.core_type<sc_vector_subcore>, window_params = [{transform_indices = #map}, {transform_indices = #map}, {transform_indices = #map}, {transform_indices = #map}]} {
    %mul3A = arith.constant 2 : i32
    %mul3A_0 = arith.muli %arg1, %mul3A : i32
    %add3A = arith.addi %mul3A_0, %arg0 : i32
    %mul3A_1 = arith.constant 1024 : i32
    %mul3A_2 = arith.muli %add3A, %mul3A_1 : i32
    "tpu.region"() ({
      %run_scoped3A = tpu.sem_alloc : memref<!tpu.dma_semaphore, #tpu.memory_space<semaphore_mem>>
      %dma_start3A = arith.constant 0 : i32
      %dma_start3A_5 = tpu.memref_slice %arg2[%dma_start3A, %mul3A_2] : memref<8x32768xf32, #tpu.memory_space<hbm>> -> memref<8x1024xf32, #tpu.memory_space<hbm>>
      %dma_start3A_6 = arith.constant 0 : i32
      %dma_start3A_7 = tpu.memref_slice %arg2[%dma_start3A_6, %mul3A_2] : memref<8x32768xf32, #tpu.memory_space<hbm>> -> memref<8x1024xf32, #tpu.memory_space<hbm>>
      tpu.enqueue_dma source(%dma_start3A_7 : memref<8x1024xf32, #tpu.memory_space<hbm>>) target(%arg6 : memref<8x1024xf32, #tpu.memory_space<vmem>>) target_semaphore(%run_scoped3A : memref<!tpu.dma_semaphore, #tpu.memory_space<semaphore_mem>>)
      %dma_wait3A = arith.constant 0 : i32
      %dma_wait3A_8 = tpu.memref_slice %arg2[%dma_wait3A, %mul3A_2] : memref<8x32768xf32, #tpu.memory_space<hbm>> -> memref<8x1024xf32, #tpu.memory_space<hbm>>
      %dma_wait3A_9 = arith.constant 0 : i32
      %dma_wait3A_10 = tpu.memref_slice %arg2[%dma_wait3A_9, %mul3A_2] : memref<8x32768xf32, #tpu.memory_space<hbm>> -> memref<8x1024xf32, #tpu.memory_space<hbm>>
      tpu.wait_dma2 semaphore(%run_scoped3A : memref<!tpu.dma_semaphore, #tpu.memory_space<semaphore_mem>>) src(%dma_wait3A_10 : memref<8x1024xf32, #tpu.memory_space<hbm>>) dst(%arg6 : memref<8x1024xf32, #tpu.memory_space<vmem>>)
      tpu.yield
    }) : () -> ()
    "tpu.region"() ({
      %run_scoped3A = tpu.sem_alloc : memref<!tpu.dma_semaphore, #tpu.memory_space<semaphore_mem>>
      tpu.enqueue_dma source(%arg3 : memref<8x16xf32, #tpu.memory_space<hbm>>) target(%arg7 : memref<8x16xf32, #tpu.memory_space<vmem>>) target_semaphore(%run_scoped3A : memref<!tpu.dma_semaphore, #tpu.memory_space<semaphore_mem>>)
      tpu.wait_dma2 semaphore(%run_scoped3A : memref<!tpu.dma_semaphore, #tpu.memory_space<semaphore_mem>>) src(%arg3 : memref<8x16xf32, #tpu.memory_space<hbm>>) dst(%arg7 : memref<8x16xf32, #tpu.memory_space<vmem>>)
      tpu.yield
    }) : () -> ()
    %parallel_loop3A = arith.constant 0 : i32
    %parallel_loop3A_3 = arith.constant 64 : i32
    %parallel_loop3A_4 = arith.constant 1 : i32
    scf.for %parallel_loop3A_5 = %parallel_loop3A to %parallel_loop3A_3 step %parallel_loop3A_4  : i32 {
      %parallel_loop3A_6 = arith.constant 16 : i32
      %parallel_loop3A_7 = arith.muli %parallel_loop3A_5, %parallel_loop3A_6 : i32
      %parallel_loop3A_8 = arith.constant 0 : i32
      %parallel_loop3A_9 = arith.index_cast %parallel_loop3A_8 : i32 to index
      %parallel_loop3A_10 = arith.index_cast %parallel_loop3A_7 : i32 to index
      %parallel_loop3A_11 = tpu.vector_load %arg6[%parallel_loop3A_9, %parallel_loop3A_10] {strides = array<i32>} : memref<8x1024xf32, #tpu.memory_space<vmem>>, vector<1x16xf32>,
      %parallel_loop3A_12 = vector.shape_cast %parallel_loop3A_11 : vector<1x16xf32> to vector<16xf32>
      %parallel_loop3A_13 = arith.constant 1 : i32
      %parallel_loop3A_14 = arith.index_cast %parallel_loop3A_13 : i32 to index
      %parallel_loop3A_15 = arith.index_cast %parallel_loop3A_7 : i32 to index
      %parallel_loop3A_16 = tpu.vector_load %arg6[%parallel_loop3A_14, %parallel_loop3A_15] {strides = array<i32>} : memref<8x1024xf32, #tpu.memory_space<vmem>>, vector<1x16xf32>,
      %parallel_loop3A_17 = vector.shape_cast %parallel_loop3A_16 : vector<1x16xf32> to vector<16xf32>
      %parallel_loop3A_18 = arith.constant 2 : i32
      %parallel_loop3A_19 = arith.index_cast %parallel_loop3A_18 : i32 to index
      %parallel_loop3A_20 = arith.index_cast %parallel_loop3A_7 : i32 to index
      %parallel_loop3A_21 = tpu.vector_load %arg6[%parallel_loop3A_19, %parallel_loop3A_20] {strides = array<i32>} : memref<8x1024xf32, #tpu.memory_space<vmem>>, vector<1x16xf32>,
      %parallel_loop3A_22 = vector.shape_cast %parallel_loop3A_21 : vector<1x16xf32> to vector<16xf32>
      %parallel_loop3A_23 = arith.constant 3 : i32
      %parallel_loop3A_24 = arith.index_cast %parallel_loop3A_23 : i32 to index
      %parallel_loop3A_25 = arith.index_cast %parallel_loop3A_7 : i32 to index
      %parallel_loop3A_26 = tpu.vector_load %arg6[%parallel_loop3A_24, %parallel_loop3A_25] {strides = array<i32>} : memref<8x1024xf32, #tpu.memory_space<vmem>>, vector<1x16xf32>,
      %parallel_loop3A_27 = vector.shape_cast %parallel_loop3A_26 : vector<1x16xf32> to vector<16xf32>
      %parallel_loop3A_28 = arith.constant 4 : i32
      %parallel_loop3A_29 = arith.index_cast %parallel_loop3A_28 : i32 to index
      %parallel_loop3A_30 = arith.index_cast %parallel_loop3A_7 : i32 to index
      %parallel_loop3A_31 = tpu.vector_load %arg6[%parallel_loop3A_29, %parallel_loop3A_30] {strides = array<i32>} : memref<8x1024xf32, #tpu.memory_space<vmem>>, vector<1x16xf32>,
      %parallel_loop3A_32 = vector.shape_cast %parallel_loop3A_31 : vector<1x16xf32> to vector<16xf32>
      %parallel_loop3A_33 = arith.constant 5 : i32
      %parallel_loop3A_34 = arith.index_cast %parallel_loop3A_33 : i32 to index
      %parallel_loop3A_35 = arith.index_cast %parallel_loop3A_7 : i32 to index
      %parallel_loop3A_36 = tpu.vector_load %arg6[%parallel_loop3A_34, %parallel_loop3A_35] {strides = array<i32>} : memref<8x1024xf32, #tpu.memory_space<vmem>>, vector<1x16xf32>,
      %parallel_loop3A_37 = vector.shape_cast %parallel_loop3A_36 : vector<1x16xf32> to vector<16xf32>
      %parallel_loop3A_38 = arith.constant 6 : i32
      %parallel_loop3A_39 = arith.index_cast %parallel_loop3A_38 : i32 to index
      %parallel_loop3A_40 = arith.index_cast %parallel_loop3A_7 : i32 to index
      %parallel_loop3A_41 = tpu.vector_load %arg6[%parallel_loop3A_39, %parallel_loop3A_40] {strides = array<i32>} : memref<8x1024xf32, #tpu.memory_space<vmem>>, vector<1x16xf32>,
      %parallel_loop3A_42 = vector.shape_cast %parallel_loop3A_41 : vector<1x16xf32> to vector<16xf32>
      %parallel_loop3A_43 = arith.constant 7 : i32
      %parallel_loop3A_44 = arith.index_cast %parallel_loop3A_43 : i32 to index
      %parallel_loop3A_45 = arith.index_cast %parallel_loop3A_7 : i32 to index
      %parallel_loop3A_46 = tpu.vector_load %arg6[%parallel_loop3A_44, %parallel_loop3A_45] {strides = array<i32>} : memref<8x1024xf32, #tpu.memory_space<vmem>>, vector<1x16xf32>,
      %parallel_loop3A_47 = vector.shape_cast %parallel_loop3A_46 : vector<1x16xf32> to vector<16xf32>
      %parallel_loop3A_48 = math.exp %parallel_loop3A_12 : vector<16xf32>
      %parallel_loop3A_49 = math.exp %parallel_loop3A_17 : vector<16xf32>
      %parallel_loop3A_50 = math.exp %parallel_loop3A_22 : vector<16xf32>
      %parallel_loop3A_51 = math.exp %parallel_loop3A_27 : vector<16xf32>
      %parallel_loop3A_52 = math.exp %parallel_loop3A_32 : vector<16xf32>
      %parallel_loop3A_53 = math.exp %parallel_loop3A_37 : vector<16xf32>
      %parallel_loop3A_54 = math.exp %parallel_loop3A_42 : vector<16xf32>
      %parallel_loop3A_55 = math.exp %parallel_loop3A_47 : vector<16xf32>
      %parallel_loop3A_56 = arith.addf %parallel_loop3A_48, %parallel_loop3A_49 : vector<16xf32>
      %parallel_loop3A_57 = arith.addf %parallel_loop3A_50, %parallel_loop3A_51 : vector<16xf32>
      %parallel_loop3A_58 = arith.addf %parallel_loop3A_56, %parallel_loop3A_57 : vector<16xf32>
      %parallel_loop3A_59 = arith.addf %parallel_loop3A_52, %parallel_loop3A_53 : vector<16xf32>
      %parallel_loop3A_60 = arith.addf %parallel_loop3A_54, %parallel_loop3A_55 : vector<16xf32>
      %parallel_loop3A_61 = arith.addf %parallel_loop3A_59, %parallel_loop3A_60 : vector<16xf32>
      %parallel_loop3A_62 = arith.addf %parallel_loop3A_58, %parallel_loop3A_61 : vector<16xf32>
      %parallel_loop3A_63 = arith.constant 1.000000e+00 : f32
      %parallel_loop3A_64 = vector.broadcast %parallel_loop3A_63 : f32 to vector<16xf32>
      %parallel_loop3A_65 = arith.divf %parallel_loop3A_64, %parallel_loop3A_62 : vector<16xf32>
      %parallel_loop3A_66 = arith.mulf %parallel_loop3A_48, %parallel_loop3A_65 : vector<16xf32>
      %parallel_loop3A_67 = arith.constant 0 : i32
      %parallel_loop3A_68 = arith.index_cast %parallel_loop3A_67 : i32 to index
      %parallel_loop3A_69 = arith.constant 0 : index
      %parallel_loop3A_70 = tpu.vector_load %arg7[%parallel_loop3A_68, %parallel_loop3A_69] {strides = array<i32>} : memref<8x16xf32, #tpu.memory_space<vmem>>, vector<1x16xf32>,
      %parallel_loop3A_71 = vector.shape_cast %parallel_loop3A_70 : vector<1x16xf32> to vector<16xf32>
      %parallel_loop3A_72 = arith.addf %parallel_loop3A_66, %parallel_loop3A_71 : vector<16xf32>
      %parallel_loop3A_73 = arith.mulf %parallel_loop3A_49, %parallel_loop3A_65 : vector<16xf32>
      %parallel_loop3A_74 = arith.constant 1 : i32
      %parallel_loop3A_75 = arith.index_cast %parallel_loop3A_74 : i32 to index
      %parallel_loop3A_76 = arith.constant 0 : index
      %parallel_loop3A_77 = tpu.vector_load %arg7[%parallel_loop3A_75, %parallel_loop3A_76] {strides = array<i32>} : memref<8x16xf32, #tpu.memory_space<vmem>>, vector<1x16xf32>,
      %parallel_loop3A_78 = vector.shape_cast %parallel_loop3A_77 : vector<1x16xf32> to vector<16xf32>
      %parallel_loop3A_79 = arith.addf %parallel_loop3A_73, %parallel_loop3A_78 : vector<16xf32>
      %parallel_loop3A_80 = arith.mulf %parallel_loop3A_50, %parallel_loop3A_65 : vector<16xf32>
      %parallel_loop3A_81 = arith.constant 2 : i32
      %parallel_loop3A_82 = arith.index_cast %parallel_loop3A_81 : i32 to index
      %parallel_loop3A_83 = arith.constant 0 : index
      %parallel_loop3A_84 = tpu.vector_load %arg7[%parallel_loop3A_82, %parallel_loop3A_83] {strides = array<i32>} : memref<8x16xf32, #tpu.memory_space<vmem>>, vector<1x16xf32>,
      %parallel_loop3A_85 = vector.shape_cast %parallel_loop3A_84 : vector<1x16xf32> to vector<16xf32>
      %parallel_loop3A_86 = arith.addf %parallel_loop3A_80, %parallel_loop3A_85 : vector<16xf32>
      %parallel_loop3A_87 = arith.mulf %parallel_loop3A_51, %parallel_loop3A_65 : vector<16xf32>
      %parallel_loop3A_88 = arith.constant 3 : i32
      %parallel_loop3A_89 = arith.index_cast %parallel_loop3A_88 : i32 to index
      %parallel_loop3A_90 = arith.constant 0 : index
      %parallel_loop3A_91 = tpu.vector_load %arg7[%parallel_loop3A_89, %parallel_loop3A_90] {strides = array<i32>} : memref<8x16xf32, #tpu.memory_space<vmem>>, vector<1x16xf32>,
      %parallel_loop3A_92 = vector.shape_cast %parallel_loop3A_91 : vector<1x16xf32> to vector<16xf32>
      %parallel_loop3A_93 = arith.addf %parallel_loop3A_87, %parallel_loop3A_92 : vector<16xf32>
      %parallel_loop3A_94 = arith.mulf %parallel_loop3A_52, %parallel_loop3A_65 : vector<16xf32>
      %parallel_loop3A_95 = arith.constant 4 : i32
      %parallel_loop3A_96 = arith.index_cast %parallel_loop3A_95 : i32 to index
      %parallel_loop3A_97 = arith.constant 0 : index
      %parallel_loop3A_98 = tpu.vector_load %arg7[%parallel_loop3A_96, %parallel_loop3A_97] {strides = array<i32>} : memref<8x16xf32, #tpu.memory_space<vmem>>, vector<1x16xf32>,
      %parallel_loop3A_99 = vector.shape_cast %parallel_loop3A_98 : vector<1x16xf32> to vector<16xf32>
      %parallel_loop3A_100 = arith.addf %parallel_loop3A_94, %parallel_loop3A_99 : vector<16xf32>
      %parallel_loop3A_101 = arith.mulf %parallel_loop3A_53, %parallel_loop3A_65 : vector<16xf32>
      %parallel_loop3A_102 = arith.constant 5 : i32
      %parallel_loop3A_103 = arith.index_cast %parallel_loop3A_102 : i32 to index
      %parallel_loop3A_104 = arith.constant 0 : index
      %parallel_loop3A_105 = tpu.vector_load %arg7[%parallel_loop3A_103, %parallel_loop3A_104] {strides = array<i32>} : memref<8x16xf32, #tpu.memory_space<vmem>>, vector<1x16xf32>,
      %parallel_loop3A_106 = vector.shape_cast %parallel_loop3A_105 : vector<1x16xf32> to vector<16xf32>
      %parallel_loop3A_107 = arith.addf %parallel_loop3A_101, %parallel_loop3A_106 : vector<16xf32>
      %parallel_loop3A_108 = arith.mulf %parallel_loop3A_54, %parallel_loop3A_65 : vector<16xf32>
      %parallel_loop3A_109 = arith.constant 6 : i32
      %parallel_loop3A_110 = arith.index_cast %parallel_loop3A_109 : i32 to index
      %parallel_loop3A_111 = arith.constant 0 : index
      %parallel_loop3A_112 = tpu.vector_load %arg7[%parallel_loop3A_110, %parallel_loop3A_111] {strides = array<i32>} : memref<8x16xf32, #tpu.memory_space<vmem>>, vector<1x16xf32>,
      %parallel_loop3A_113 = vector.shape_cast %parallel_loop3A_112 : vector<1x16xf32> to vector<16xf32>
      %parallel_loop3A_114 = arith.addf %parallel_loop3A_108, %parallel_loop3A_113 : vector<16xf32>
      %parallel_loop3A_115 = arith.mulf %parallel_loop3A_55, %parallel_loop3A_65 : vector<16xf32>
      %parallel_loop3A_116 = arith.constant 7 : i32
      %parallel_loop3A_117 = arith.index_cast %parallel_loop3A_116 : i32 to index
      %parallel_loop3A_118 = arith.constant 0 : index
      %parallel_loop3A_119 = tpu.vector_load %arg7[%parallel_loop3A_117, %parallel_loop3A_118] {strides = array<i32>} : memref<8x16xf32, #tpu.memory_space<vmem>>, vector<1x16xf32>,
      %parallel_loop3A_120 = vector.shape_cast %parallel_loop3A_119 : vector<1x16xf32> to vector<16xf32>
      %parallel_loop3A_121 = arith.addf %parallel_loop3A_115, %parallel_loop3A_120 : vector<16xf32>
      %parallel_loop3A_122 = arith.constant 0 : i32
      %parallel_loop3A_123 = vector.broadcast %parallel_loop3A_122 : i32 to vector<16xi32>
      %parallel_loop3A_124 = arith.cmpf ogt, %parallel_loop3A_79, %parallel_loop3A_72 : vector<16xf32>
      %parallel_loop3A_125 = arith.select %parallel_loop3A_124, %parallel_loop3A_79, %parallel_loop3A_72 : vector<16xi1>, vector<16xf32>
      %parallel_loop3A_126 = arith.constant 1 : i32
      %parallel_loop3A_127 = vector.broadcast %parallel_loop3A_126 : i32 to vector<16xi32>
      %parallel_loop3A_128 = arith.select %parallel_loop3A_124, %parallel_loop3A_127, %parallel_loop3A_123 : vector<16xi1>, vector<16xi32>
      %parallel_loop3A_129 = arith.cmpf ogt, %parallel_loop3A_86, %parallel_loop3A_125 : vector<16xf32>
      %parallel_loop3A_130 = arith.select %parallel_loop3A_129, %parallel_loop3A_86, %parallel_loop3A_125 : vector<16xi1>, vector<16xf32>
      %parallel_loop3A_131 = arith.constant 2 : i32
      %parallel_loop3A_132 = vector.broadcast %parallel_loop3A_131 : i32 to vector<16xi32>
      %parallel_loop3A_133 = arith.select %parallel_loop3A_129, %parallel_loop3A_132, %parallel_loop3A_128 : vector<16xi1>, vector<16xi32>
      %parallel_loop3A_134 = arith.cmpf ogt, %parallel_loop3A_93, %parallel_loop3A_130 : vector<16xf32>
      %parallel_loop3A_135 = arith.select %parallel_loop3A_134, %parallel_loop3A_93, %parallel_loop3A_130 : vector<16xi1>, vector<16xf32>
      %parallel_loop3A_136 = arith.constant 3 : i32
      %parallel_loop3A_137 = vector.broadcast %parallel_loop3A_136 : i32 to vector<16xi32>
      %parallel_loop3A_138 = arith.select %parallel_loop3A_134, %parallel_loop3A_137, %parallel_loop3A_133 : vector<16xi1>, vector<16xi32>
      %parallel_loop3A_139 = arith.cmpf ogt, %parallel_loop3A_100, %parallel_loop3A_135 : vector<16xf32>
      %parallel_loop3A_140 = arith.select %parallel_loop3A_139, %parallel_loop3A_100, %parallel_loop3A_135 : vector<16xi1>, vector<16xf32>
      %parallel_loop3A_141 = arith.constant 4 : i32
      %parallel_loop3A_142 = vector.broadcast %parallel_loop3A_141 : i32 to vector<16xi32>
      %parallel_loop3A_143 = arith.select %parallel_loop3A_139, %parallel_loop3A_142, %parallel_loop3A_138 : vector<16xi1>, vector<16xi32>
      %parallel_loop3A_144 = arith.cmpf ogt, %parallel_loop3A_107, %parallel_loop3A_140 : vector<16xf32>
      %parallel_loop3A_145 = arith.select %parallel_loop3A_144, %parallel_loop3A_107, %parallel_loop3A_140 : vector<16xi1>, vector<16xf32>
      %parallel_loop3A_146 = arith.constant 5 : i32
      %parallel_loop3A_147 = vector.broadcast %parallel_loop3A_146 : i32 to vector<16xi32>
      %parallel_loop3A_148 = arith.select %parallel_loop3A_144, %parallel_loop3A_147, %parallel_loop3A_143 : vector<16xi1>, vector<16xi32>
      %parallel_loop3A_149 = arith.cmpf ogt, %parallel_loop3A_114, %parallel_loop3A_145 : vector<16xf32>
      %parallel_loop3A_150 = arith.select %parallel_loop3A_149, %parallel_loop3A_114, %parallel_loop3A_145 : vector<16xi1>, vector<16xf32>
      %parallel_loop3A_151 = arith.constant 6 : i32
      %parallel_loop3A_152 = vector.broadcast %parallel_loop3A_151 : i32 to vector<16xi32>
      %parallel_loop3A_153 = arith.select %parallel_loop3A_149, %parallel_loop3A_152, %parallel_loop3A_148 : vector<16xi1>, vector<16xi32>
      %parallel_loop3A_154 = arith.cmpf ogt, %parallel_loop3A_121, %parallel_loop3A_150 : vector<16xf32>
      %parallel_loop3A_155 = arith.select %parallel_loop3A_154, %parallel_loop3A_121, %parallel_loop3A_150 : vector<16xi1>, vector<16xf32>
      %parallel_loop3A_156 = arith.constant 7 : i32
      %parallel_loop3A_157 = vector.broadcast %parallel_loop3A_156 : i32 to vector<16xi32>
      %parallel_loop3A_158 = arith.select %parallel_loop3A_154, %parallel_loop3A_157, %parallel_loop3A_153 : vector<16xi1>, vector<16xi32>
      %parallel_loop3A_159 = arith.constant 0xFF800000 : f32
      %parallel_loop3A_160 = vector.broadcast %parallel_loop3A_159 : f32 to vector<16xf32>
      %parallel_loop3A_161 = arith.constant 0 : i32
      %parallel_loop3A_162 = vector.broadcast %parallel_loop3A_161 : i32 to vector<16xi32>
      %parallel_loop3A_163 = arith.constant 0 : i32
      %parallel_loop3A_164 = vector.broadcast %parallel_loop3A_163 : i32 to vector<16xi32>
      %parallel_loop3A_165 = arith.cmpi ne, %parallel_loop3A_158, %parallel_loop3A_164 : vector<16xi32>
      %parallel_loop3A_166 = arith.cmpf ogt, %parallel_loop3A_72, %parallel_loop3A_160 : vector<16xf32>
      %parallel_loop3A_167 = arith.andi %parallel_loop3A_165, %parallel_loop3A_166 : vector<16xi1>
      %parallel_loop3A_168 = arith.select %parallel_loop3A_167, %parallel_loop3A_72, %parallel_loop3A_160 : vector<16xi1>, vector<16xf32>
      %parallel_loop3A_169 = arith.constant 0 : i32
      %parallel_loop3A_170 = vector.broadcast %parallel_loop3A_169 : i32 to vector<16xi32>
      %parallel_loop3A_171 = arith.select %parallel_loop3A_167, %parallel_loop3A_170, %parallel_loop3A_162 : vector<16xi1>, vector<16xi32>
      %parallel_loop3A_172 = arith.constant 1 : i32
      %parallel_loop3A_173 = vector.broadcast %parallel_loop3A_172 : i32 to vector<16xi32>
      %parallel_loop3A_174 = arith.cmpi ne, %parallel_loop3A_158, %parallel_loop3A_173 : vector<16xi32>
      %parallel_loop3A_175 = arith.cmpf ogt, %parallel_loop3A_79, %parallel_loop3A_168 : vector<16xf32>
      %parallel_loop3A_176 = arith.andi %parallel_loop3A_174, %parallel_loop3A_175 : vector<16xi1>
      %parallel_loop3A_177 = arith.select %parallel_loop3A_176, %parallel_loop3A_79, %parallel_loop3A_168 : vector<16xi1>, vector<16xf32>
      %parallel_loop3A_178 = arith.constant 1 : i32
      %parallel_loop3A_179 = vector.broadcast %parallel_loop3A_178 : i32 to vector<16xi32>
      %parallel_loop3A_180 = arith.select %parallel_loop3A_176, %parallel_loop3A_179, %parallel_loop3A_171 : vector<16xi1>, vector<16xi32>
      %parallel_loop3A_181 = arith.constant 2 : i32
      %parallel_loop3A_182 = vector.broadcast %parallel_loop3A_181 : i32 to vector<16xi32>
      %parallel_loop3A_183 = arith.cmpi ne, %parallel_loop3A_158, %parallel_loop3A_182 : vector<16xi32>
      %parallel_loop3A_184 = arith.cmpf ogt, %parallel_loop3A_86, %parallel_loop3A_177 : vector<16xf32>
      %parallel_loop3A_185 = arith.andi %parallel_loop3A_183, %parallel_loop3A_184 : vector<16xi1>
      %parallel_loop3A_186 = arith.select %parallel_loop3A_185, %parallel_loop3A_86, %parallel_loop3A_177 : vector<16xi1>, vector<16xf32>
      %parallel_loop3A_187 = arith.constant 2 : i32
      %parallel_loop3A_188 = vector.broadcast %parallel_loop3A_187 : i32 to vector<16xi32>
      %parallel_loop3A_189 = arith.select %parallel_loop3A_185, %parallel_loop3A_188, %parallel_loop3A_180 : vector<16xi1>, vector<16xi32>
      %parallel_loop3A_190 = arith.constant 3 : i32
      %parallel_loop3A_191 = vector.broadcast %parallel_loop3A_190 : i32 to vector<16xi32>
      %parallel_loop3A_192 = arith.cmpi ne, %parallel_loop3A_158, %parallel_loop3A_191 : vector<16xi32>
      %parallel_loop3A_193 = arith.cmpf ogt, %parallel_loop3A_93, %parallel_loop3A_186 : vector<16xf32>
      %parallel_loop3A_194 = arith.andi %parallel_loop3A_192, %parallel_loop3A_193 : vector<16xi1>
      %parallel_loop3A_195 = arith.select %parallel_loop3A_194, %parallel_loop3A_93, %parallel_loop3A_186 : vector<16xi1>, vector<16xf32>
      %parallel_loop3A_196 = arith.constant 3 : i32
      %parallel_loop3A_197 = vector.broadcast %parallel_loop3A_196 : i32 to vector<16xi32>
      %parallel_loop3A_198 = arith.select %parallel_loop3A_194, %parallel_loop3A_197, %parallel_loop3A_189 : vector<16xi1>, vector<16xi32>
      %parallel_loop3A_199 = arith.constant 4 : i32
      %parallel_loop3A_200 = vector.broadcast %parallel_loop3A_199 : i32 to vector<16xi32>
      %parallel_loop3A_201 = arith.cmpi ne, %parallel_loop3A_158, %parallel_loop3A_200 : vector<16xi32>
      %parallel_loop3A_202 = arith.cmpf ogt, %parallel_loop3A_100, %parallel_loop3A_195 : vector<16xf32>
      %parallel_loop3A_203 = arith.andi %parallel_loop3A_201, %parallel_loop3A_202 : vector<16xi1>
      %parallel_loop3A_204 = arith.select %parallel_loop3A_203, %parallel_loop3A_100, %parallel_loop3A_195 : vector<16xi1>, vector<16xf32>
      %parallel_loop3A_205 = arith.constant 4 : i32
      %parallel_loop3A_206 = vector.broadcast %parallel_loop3A_205 : i32 to vector<16xi32>
      %parallel_loop3A_207 = arith.select %parallel_loop3A_203, %parallel_loop3A_206, %parallel_loop3A_198 : vector<16xi1>, vector<16xi32>
      %parallel_loop3A_208 = arith.constant 5 : i32
      %parallel_loop3A_209 = vector.broadcast %parallel_loop3A_208 : i32 to vector<16xi32>
      %parallel_loop3A_210 = arith.cmpi ne, %parallel_loop3A_158, %parallel_loop3A_209 : vector<16xi32>
      %parallel_loop3A_211 = arith.cmpf ogt, %parallel_loop3A_107, %parallel_loop3A_204 : vector<16xf32>
      %parallel_loop3A_212 = arith.andi %parallel_loop3A_210, %parallel_loop3A_211 : vector<16xi1>
      %parallel_loop3A_213 = arith.select %parallel_loop3A_212, %parallel_loop3A_107, %parallel_loop3A_204 : vector<16xi1>, vector<16xf32>
      %parallel_loop3A_214 = arith.constant 5 : i32
      %parallel_loop3A_215 = vector.broadcast %parallel_loop3A_214 : i32 to vector<16xi32>
      %parallel_loop3A_216 = arith.select %parallel_loop3A_212, %parallel_loop3A_215, %parallel_loop3A_207 : vector<16xi1>, vector<16xi32>
      %parallel_loop3A_217 = arith.constant 6 : i32
      %parallel_loop3A_218 = vector.broadcast %parallel_loop3A_217 : i32 to vector<16xi32>
      %parallel_loop3A_219 = arith.cmpi ne, %parallel_loop3A_158, %parallel_loop3A_218 : vector<16xi32>
      %parallel_loop3A_220 = arith.cmpf ogt, %parallel_loop3A_114, %parallel_loop3A_213 : vector<16xf32>
      %parallel_loop3A_221 = arith.andi %parallel_loop3A_219, %parallel_loop3A_220 : vector<16xi1>
      %parallel_loop3A_222 = arith.select %parallel_loop3A_221, %parallel_loop3A_114, %parallel_loop3A_213 : vector<16xi1>, vector<16xf32>
      %parallel_loop3A_223 = arith.constant 6 : i32
      %parallel_loop3A_224 = vector.broadcast %parallel_loop3A_223 : i32 to vector<16xi32>
      %parallel_loop3A_225 = arith.select %parallel_loop3A_221, %parallel_loop3A_224, %parallel_loop3A_216 : vector<16xi1>, vector<16xi32>
      %parallel_loop3A_226 = arith.constant 7 : i32
      %parallel_loop3A_227 = vector.broadcast %parallel_loop3A_226 : i32 to vector<16xi32>
      %parallel_loop3A_228 = arith.cmpi ne, %parallel_loop3A_158, %parallel_loop3A_227 : vector<16xi32>
      %parallel_loop3A_229 = arith.cmpf ogt, %parallel_loop3A_121, %parallel_loop3A_222 : vector<16xf32>
      %parallel_loop3A_230 = arith.andi %parallel_loop3A_228, %parallel_loop3A_229 : vector<16xi1>
      %parallel_loop3A_231 = arith.select %parallel_loop3A_230, %parallel_loop3A_121, %parallel_loop3A_222 : vector<16xi1>, vector<16xf32>
      %parallel_loop3A_232 = arith.constant 7 : i32
      %parallel_loop3A_233 = vector.broadcast %parallel_loop3A_232 : i32 to vector<16xi32>
      %parallel_loop3A_234 = arith.select %parallel_loop3A_230, %parallel_loop3A_233, %parallel_loop3A_225 : vector<16xi1>, vector<16xi32>
      %parallel_loop3A_235 = arith.constant 1 : i32
      %parallel_loop3A_236 = vector.broadcast %parallel_loop3A_235 : i32 to vector<16xi32>
      %parallel_loop3A_237 = arith.cmpi eq, %parallel_loop3A_158, %parallel_loop3A_236 : vector<16xi32>
      %parallel_loop3A_238 = arith.select %parallel_loop3A_237, %parallel_loop3A_49, %parallel_loop3A_48 : vector<16xi1>, vector<16xf32>
      %parallel_loop3A_239 = arith.constant 1 : i32
      %parallel_loop3A_240 = vector.broadcast %parallel_loop3A_239 : i32 to vector<16xi32>
      %parallel_loop3A_241 = arith.cmpi eq, %parallel_loop3A_234, %parallel_loop3A_240 : vector<16xi32>
      %parallel_loop3A_242 = arith.select %parallel_loop3A_241, %parallel_loop3A_49, %parallel_loop3A_48 : vector<16xi1>, vector<16xf32>
      %parallel_loop3A_243 = arith.constant 2 : i32
      %parallel_loop3A_244 = vector.broadcast %parallel_loop3A_243 : i32 to vector<16xi32>
      %parallel_loop3A_245 = arith.cmpi eq, %parallel_loop3A_158, %parallel_loop3A_244 : vector<16xi32>
      %parallel_loop3A_246 = arith.select %parallel_loop3A_245, %parallel_loop3A_50, %parallel_loop3A_238 : vector<16xi1>, vector<16xf32>
      %parallel_loop3A_247 = arith.constant 2 : i32
      %parallel_loop3A_248 = vector.broadcast %parallel_loop3A_247 : i32 to vector<16xi32>
      %parallel_loop3A_249 = arith.cmpi eq, %parallel_loop3A_234, %parallel_loop3A_248 : vector<16xi32>
      %parallel_loop3A_250 = arith.select %parallel_loop3A_249, %parallel_loop3A_50, %parallel_loop3A_242 : vector<16xi1>, vector<16xf32>
      %parallel_loop3A_251 = arith.constant 3 : i32
      %parallel_loop3A_252 = vector.broadcast %parallel_loop3A_251 : i32 to vector<16xi32>
      %parallel_loop3A_253 = arith.cmpi eq, %parallel_loop3A_158, %parallel_loop3A_252 : vector<16xi32>
      %parallel_loop3A_254 = arith.select %parallel_loop3A_253, %parallel_loop3A_51, %parallel_loop3A_246 : vector<16xi1>, vector<16xf32>
      %parallel_loop3A_255 = arith.constant 3 : i32
      %parallel_loop3A_256 = vector.broadcast %parallel_loop3A_255 : i32 to vector<16xi32>
      %parallel_loop3A_257 = arith.cmpi eq, %parallel_loop3A_234, %parallel_loop3A_256 : vector<16xi32>
      %parallel_loop3A_258 = arith.select %parallel_loop3A_257, %parallel_loop3A_51, %parallel_loop3A_250 : vector<16xi1>, vector<16xf32>
      %parallel_loop3A_259 = arith.constant 4 : i32
      %parallel_loop3A_260 = vector.broadcast %parallel_loop3A_259 : i32 to vector<16xi32>
      %parallel_loop3A_261 = arith.cmpi eq, %parallel_loop3A_158, %parallel_loop3A_260 : vector<16xi32>
      %parallel_loop3A_262 = arith.select %parallel_loop3A_261, %parallel_loop3A_52, %parallel_loop3A_254 : vector<16xi1>, vector<16xf32>
      %parallel_loop3A_263 = arith.constant 4 : i32
      %parallel_loop3A_264 = vector.broadcast %parallel_loop3A_263 : i32 to vector<16xi32>
      %parallel_loop3A_265 = arith.cmpi eq, %parallel_loop3A_234, %parallel_loop3A_264 : vector<16xi32>
      %parallel_loop3A_266 = arith.select %parallel_loop3A_265, %parallel_loop3A_52, %parallel_loop3A_258 : vector<16xi1>, vector<16xf32>
      %parallel_loop3A_267 = arith.constant 5 : i32
      %parallel_loop3A_268 = vector.broadcast %parallel_loop3A_267 : i32 to vector<16xi32>
      %parallel_loop3A_269 = arith.cmpi eq, %parallel_loop3A_158, %parallel_loop3A_268 : vector<16xi32>
      %parallel_loop3A_270 = arith.select %parallel_loop3A_269, %parallel_loop3A_53, %parallel_loop3A_262 : vector<16xi1>, vector<16xf32>
      %parallel_loop3A_271 = arith.constant 5 : i32
      %parallel_loop3A_272 = vector.broadcast %parallel_loop3A_271 : i32 to vector<16xi32>
      %parallel_loop3A_273 = arith.cmpi eq, %parallel_loop3A_234, %parallel_loop3A_272 : vector<16xi32>
      %parallel_loop3A_274 = arith.select %parallel_loop3A_273, %parallel_loop3A_53, %parallel_loop3A_266 : vector<16xi1>, vector<16xf32>
      %parallel_loop3A_275 = arith.constant 6 : i32
      %parallel_loop3A_276 = vector.broadcast %parallel_loop3A_275 : i32 to vector<16xi32>
      %parallel_loop3A_277 = arith.cmpi eq, %parallel_loop3A_158, %parallel_loop3A_276 : vector<16xi32>
      %parallel_loop3A_278 = arith.select %parallel_loop3A_277, %parallel_loop3A_54, %parallel_loop3A_270 : vector<16xi1>, vector<16xf32>
      %parallel_loop3A_279 = arith.constant 6 : i32
      %parallel_loop3A_280 = vector.broadcast %parallel_loop3A_279 : i32 to vector<16xi32>
      %parallel_loop3A_281 = arith.cmpi eq, %parallel_loop3A_234, %parallel_loop3A_280 : vector<16xi32>
      %parallel_loop3A_282 = arith.select %parallel_loop3A_281, %parallel_loop3A_54, %parallel_loop3A_274 : vector<16xi1>, vector<16xf32>
      %parallel_loop3A_283 = arith.constant 7 : i32
      %parallel_loop3A_284 = vector.broadcast %parallel_loop3A_283 : i32 to vector<16xi32>
      %parallel_loop3A_285 = arith.cmpi eq, %parallel_loop3A_158, %parallel_loop3A_284 : vector<16xi32>
      %parallel_loop3A_286 = arith.select %parallel_loop3A_285, %parallel_loop3A_55, %parallel_loop3A_278 : vector<16xi1>, vector<16xf32>
      %parallel_loop3A_287 = arith.constant 7 : i32
      %parallel_loop3A_288 = vector.broadcast %parallel_loop3A_287 : i32 to vector<16xi32>
      %parallel_loop3A_289 = arith.cmpi eq, %parallel_loop3A_234, %parallel_loop3A_288 : vector<16xi32>
      %parallel_loop3A_290 = arith.select %parallel_loop3A_289, %parallel_loop3A_55, %parallel_loop3A_282 : vector<16xi1>, vector<16xf32>
      %parallel_loop3A_291 = arith.mulf %parallel_loop3A_286, %parallel_loop3A_65 : vector<16xf32>
      %parallel_loop3A_292 = arith.constant 0 : i32
      %parallel_loop3A_293 = arith.index_cast %parallel_loop3A_292 : i32 to index
      %parallel_loop3A_294 = arith.index_cast %parallel_loop3A_7 : i32 to index
      %parallel_loop3A_295 = tpu.vector_load %arg8[%parallel_loop3A_293, %parallel_loop3A_294] {strides = array<i32>} : memref<2x1024xf32, #tpu.memory_space<vmem>>, vector<1x16xf32>,
      %parallel_loop3A_296 = vector.shape_cast %parallel_loop3A_295 : vector<1x16xf32> to vector<16xf32>
      %parallel_loop3A_297 = vector.shape_cast %parallel_loop3A_291 : vector<16xf32> to vector<1x16xf32>
      tpu.vector_store %arg8[%parallel_loop3A_293, %parallel_loop3A_294], %parallel_loop3A_297 {strides = array<i32>} : memref<2x1024xf32, #tpu.memory_space<vmem>>, vector<1x16xf32>,
      %parallel_loop3A_298 = arith.mulf %parallel_loop3A_290, %parallel_loop3A_65 : vector<16xf32>
      %parallel_loop3A_299 = arith.constant 1 : i32
      %parallel_loop3A_300 = arith.index_cast %parallel_loop3A_299 : i32 to index
      %parallel_loop3A_301 = arith.index_cast %parallel_loop3A_7 : i32 to index
      %parallel_loop3A_302 = tpu.vector_load %arg8[%parallel_loop3A_300, %parallel_loop3A_301] {strides = array<i32>} : memref<2x1024xf32, #tpu.memory_space<vmem>>, vector<1x16xf32>,
      %parallel_loop3A_303 = vector.shape_cast %parallel_loop3A_302 : vector<1x16xf32> to vector<16xf32>
      %parallel_loop3A_304 = vector.shape_cast %parallel_loop3A_298 : vector<16xf32> to vector<1x16xf32>
      tpu.vector_store %arg8[%parallel_loop3A_300, %parallel_loop3A_301], %parallel_loop3A_304 {strides = array<i32>} : memref<2x1024xf32, #tpu.memory_space<vmem>>, vector<1x16xf32>,
      %parallel_loop3A_305 = arith.constant 0 : i32
      %parallel_loop3A_306 = arith.index_cast %parallel_loop3A_305 : i32 to index
      %parallel_loop3A_307 = arith.index_cast %parallel_loop3A_7 : i32 to index
      %parallel_loop3A_308 = tpu.vector_load %arg9[%parallel_loop3A_306, %parallel_loop3A_307] {strides = array<i32>} : memref<2x1024xi32, #tpu.memory_space<vmem>>, vector<1x16xi32>,
      %parallel_loop3A_309 = vector.shape_cast %parallel_loop3A_308 : vector<1x16xi32> to vector<16xi32>
      %parallel_loop3A_310 = vector.shape_cast %parallel_loop3A_158 : vector<16xi32> to vector<1x16xi32>
      tpu.vector_store %arg9[%parallel_loop3A_306, %parallel_loop3A_307], %parallel_loop3A_310 {strides = array<i32>} : memref<2x1024xi32, #tpu.memory_space<vmem>>, vector<1x16xi32>,
      %parallel_loop3A_311 = arith.constant 1 : i32
      %parallel_loop3A_312 = arith.index_cast %parallel_loop3A_311 : i32 to index
      %parallel_loop3A_313 = arith.index_cast %parallel_loop3A_7 : i32 to index
      %parallel_loop3A_314 = tpu.vector_load %arg9[%parallel_loop3A_312, %parallel_loop3A_313] {strides = array<i32>} : memref<2x1024xi32, #tpu.memory_space<vmem>>, vector<1x16xi32>,
      %parallel_loop3A_315 = vector.shape_cast %parallel_loop3A_314 : vector<1x16xi32> to vector<16xi32>
      %parallel_loop3A_316 = vector.shape_cast %parallel_loop3A_234 : vector<16xi32> to vector<1x16xi32>
      tpu.vector_store %arg9[%parallel_loop3A_312, %parallel_loop3A_313], %parallel_loop3A_316 {strides = array<i32>} : memref<2x1024xi32, #tpu.memory_space<vmem>>, vector<1x16xi32>,
    } {sc.loop_unroll_factor = 8 : i64, sc.parallel_access}
    "tpu.region"() ({
      %run_scoped3A = tpu.sem_alloc : memref<!tpu.dma_semaphore, #tpu.memory_space<semaphore_mem>>
      %dma_start3A = arith.constant 0 : i32
      %dma_start3A_5 = tpu.memref_slice %arg4[%dma_start3A, %mul3A_2] : memref<2x32768xf32, #tpu.memory_space<hbm>> -> memref<2x1024xf32, #tpu.memory_space<hbm>>
      %dma_start3A_6 = arith.constant 0 : i32
      %dma_start3A_7 = tpu.memref_slice %arg4[%dma_start3A_6, %mul3A_2] : memref<2x32768xf32, #tpu.memory_space<hbm>> -> memref<2x1024xf32, #tpu.memory_space<hbm>>
      tpu.enqueue_dma source(%arg8 : memref<2x1024xf32, #tpu.memory_space<vmem>>) target(%dma_start3A_7 : memref<2x1024xf32, #tpu.memory_space<hbm>>) target_semaphore(%run_scoped3A : memref<!tpu.dma_semaphore, #tpu.memory_space<semaphore_mem>>)
      %dma_wait3A = arith.constant 0 : i32
      %dma_wait3A_8 = tpu.memref_slice %arg4[%dma_wait3A, %mul3A_2] : memref<2x32768xf32, #tpu.memory_space<hbm>> -> memref<2x1024xf32, #tpu.memory_space<hbm>>
      %dma_wait3A_9 = arith.constant 0 : i32
      %dma_wait3A_10 = tpu.memref_slice %arg4[%dma_wait3A_9, %mul3A_2] : memref<2x32768xf32, #tpu.memory_space<hbm>> -> memref<2x1024xf32, #tpu.memory_space<hbm>>
      tpu.wait_dma2 semaphore(%run_scoped3A : memref<!tpu.dma_semaphore, #tpu.memory_space<semaphore_mem>>) src(%arg8 : memref<2x1024xf32, #tpu.memory_space<vmem>>) dst(%dma_wait3A_10 : memref<2x1024xf32, #tpu.memory_space<hbm>>)
      tpu.yield
    }) : () -> ()
    "tpu.region"() ({
      %run_scoped3A = tpu.sem_alloc : memref<!tpu.dma_semaphore, #tpu.memory_space<semaphore_mem>>
      %dma_start3A = arith.constant 0 : i32
      %dma_start3A_5 = tpu.memref_slice %arg5[%dma_start3A, %mul3A_2] : memref<2x32768xi32, #tpu.memory_space<hbm>> -> memref<2x1024xi32, #tpu.memory_space<hbm>>
      %dma_start3A_6 = arith.constant 0 : i32
      %dma_start3A_7 = tpu.memref_slice %arg5[%dma_start3A_6, %mul3A_2] : memref<2x32768xi32, #tpu.memory_space<hbm>> -> memref<2x1024xi32, #tpu.memory_space<hbm>>
      tpu.enqueue_dma source(%arg9 : memref<2x1024xi32, #tpu.memory_space<vmem>>) target(%dma_start3A_7 : memref<2x1024xi32, #tpu.memory_space<hbm>>) target_semaphore(%run_scoped3A : memref<!tpu.dma_semaphore, #tpu.memory_space<semaphore_mem>>)
      %dma_wait3A = arith.constant 0 : i32
      %dma_wait3A_8 = tpu.memref_slice %arg5[%dma_wait3A, %mul3A_2] : memref<2x32768xi32, #tpu.memory_space<hbm>> -> memref<2x1024xi32, #tpu.memory_space<hbm>>
      %dma_wait3A_9 = arith.constant 0 : i32
      %dma_wait3A_10 = tpu.memref_slice %arg5[%dma_wait3A_9, %mul3A_2] : memref<2x32768xi32, #tpu.memory_space<hbm>> -> memref<2x1024xi32, #tpu.memory_space<hbm>>
      tpu.wait_dma2 semaphore(%run_scoped3A : memref<!tpu.dma_semaphore, #tpu.memory_space<semaphore_mem>>) src(%arg9 : memref<2x1024xi32, #tpu.memory_space<vmem>>) dst(%dma_wait3A_10 : memref<2x1024xi32, #tpu.memory_space<hbm>>)
      tpu.yield
    }) : () -> ()
    return
  }
}

module attributes {stable_mosaic.version = 14 : i64} {
  func.func @_scores_kernel(%arg0: i32, %arg1: memref<4096x768xf32, #tpu.memory_space<vmem>>, %arg2: memref<8x768xf32, #tpu.memory_space<vmem>>, %arg3: memref<8x4096xf32, #tpu.memory_space<vmem>>) attributes {dimension_semantics = [#tpu.dimension_semantics<arbitrary>], iteration_bounds = array<i64: 8>, scalar_prefetch = 0 : i64, scratch_operands = 0 : i64, tpu.core_type = #tpu.core_type<tc>, window_params = [{transform_indices = @transform_0, window_bounds = array<i64: 4096, 768>}, {pipeline_mode = #tpu.pipeline_mode<synchronous>, transform_indices = @transform_1, window_bounds = array<i64: 8, 768>}, {transform_indices = @transform_2, window_bounds = array<i64: 8, 4096>}]} {
    %get3A = arith.constant 0 : index
    %get3A_0 = arith.constant 0 : index
    %get3A_1 = vector.load %arg1[%get3A, %get3A_0] : memref<4096x768xf32, #tpu.memory_space<vmem>>, vector<4096x768xf32>
    %get3A_2 = arith.constant 0 : index
    %get3A_3 = arith.constant 0 : index
    %get3A_4 = vector.load %arg2[%get3A_2, %get3A_3] : memref<8x768xf32, #tpu.memory_space<vmem>>, vector<8x768xf32>
    %slice3A = vector.extract_strided_slice %get3A_4 {offsets = [0, 0], sizes = [8, 384], strides = [1, 1]} : vector<8x768xf32> to vector<8x384xf32>
    %slice3A_5 = vector.extract_strided_slice %get3A_1 {offsets = [0, 0], sizes = [4096, 384], strides = [1, 1]} : vector<4096x768xf32> to vector<4096x384xf32>
    %dot_general3A = arith.constant dense<0.000000e+00> : vector<8x4096xf32>
    %dot_general3A_6 = tpu.matmul %slice3A, %slice3A_5, %dot_general3A {dimension_numbers = #tpu.dot_dimension_numbers<[1], [1], [0], [0], [0, 0, 1, 0], [], []>, transpose_lhs_hint = false} : vector<8x384xf32>, vector<4096x384xf32>, vector<8x4096xf32> -> vector<8x4096xf32>
    %slice3A_7 = vector.extract_strided_slice %get3A_4 {offsets = [0, 384], sizes = [8, 384], strides = [1, 1]} : vector<8x768xf32> to vector<8x384xf32>
    %slice3A_8 = vector.extract_strided_slice %get3A_1 {offsets = [0, 384], sizes = [4096, 384], strides = [1, 1]} : vector<4096x768xf32> to vector<4096x384xf32>
    %dot_general3A_9 = arith.constant dense<0.000000e+00> : vector<8x4096xf32>
    %dot_general3A_10 = tpu.matmul %slice3A_7, %slice3A_8, %dot_general3A_9 {dimension_numbers = #tpu.dot_dimension_numbers<[1], [1], [0], [0], [0, 0, 1, 0], [], []>, transpose_lhs_hint = false} : vector<8x384xf32>, vector<4096x384xf32>, vector<8x4096xf32> -> vector<8x4096xf32>
    %add3A = arith.addf %dot_general3A_6, %dot_general3A_10 : vector<8x4096xf32>
    %swap3A = arith.constant 0 : index
    %swap3A_11 = arith.constant 0 : index
    %swap3A_12 = vector.load %arg3[%swap3A, %swap3A_11] : memref<8x4096xf32, #tpu.memory_space<vmem>>, vector<8x4096xf32>
    tpu.vector_store %arg3[%swap3A, %swap3A_11], %add3A {strides = array<i32>} : memref<8x4096xf32, #tpu.memory_space<vmem>>, vector<8x4096xf32>,
    return
  }
  func.func @transform_0(%arg0: i32) -> (i32, i32) {
    %c0_i32 = arith.constant 0 : i32
    %c0_i32_0 = arith.constant 0 : i32
    return %arg0, %c0_i32 : i32, i32
  }
  func.func @transform_1(%arg0: i32) -> (i32, i32) {
    %c0_i32 = arith.constant 0 : i32
    %c0_i32_0 = arith.constant 0 : i32
    %c0_i32_1 = arith.constant 0 : i32
    return %c0_i32, %c0_i32_0 : i32, i32
  }
  func.func @transform_2(%arg0: i32) -> (i32, i32) {
    %c0_i32 = arith.constant 0 : i32
    %c0_i32_0 = arith.constant 0 : i32
    return %c0_i32, %arg0 : i32, i32
  }
}

</mosaic_0001>

<sc_bundles>
// kernel: kernel.4.cloned.1.call-start
scs
__scs_entry_jumppad:
0x0: {  	(pc) =	sbr.rel $0x88, $3  }
0x1: {  	(tag) =	ssettag $0x0;
	lr =	simm.s32 $0x1  }
0x2: {  	[smem:$0x3F9E] =	sst lr;
	_ =	strace $0xD0000000  }
0x3: {  	_ = 	snop  }
0x4: {  	_ = 	snop  }
0x5: {  	_ = 	snop  }
0x6: {  	_ = 	snop  }
0x7: {  	_ = 	snop  }
__scs_overlays_trampoline_lowered:
0x8: {  	[smem:$0x3FAD] =	sst s0  }
0x9: {  	[smem:$0x3FAE] =	sst s1  }
0xa: {  	[smem:$0x3FAF] =	sst s2  }
0xb: {  	[smem:$0x3FB0] =	sst s3  }
0xc: {  	[smem:$0x3FB1] =	sst s4  }
0xd: {  	[smem:$0x3FB2] =	sst s5  }
0xe: {  	[smem:$0x3FB3] =	sst s6  }
0xf: {  	[smem:$0x3FB4] =	sst s7  }
0x10: {  	[smem:$0x3FB5] =	sst s8  }
0x11: {  	[smem:$0x3FB6] =	sst s9;
	s0 =	simm.s32 @!p0 $0x0  }
0x12: {  	s1 =	sld [smem:$0x3F9C];
	s0 =	simm.s32 @p0 $0x1  }
0x13: {  	[smem:$0x3FB7] =	sst s0;
	s0 =	simm.s32 @!p1 $0x0  }
0x14: {  	s2 =	sld [smem:$0x3F9B];
	s0 =	simm.s32 @p1 $0x1  }
0x15: {  	[smem:$0x3FB8] =	sst s0;
	s0 =	simm.s32 @!p2 $0x0  }
0x16: {  	s3 =	sld [smem:$0x3FDB];
	s0 =	simm.s32 @p2 $0x1  }
0x17: {  	s4 =	simm.s32 $0x1BF5;
	[smem:$0x3FBA] =	sst s0  }
0x18: {  	s0 =	sld [smem:$0x3F9D];
	_ =	swait.ge [sflag:s4], $0x0  }
0x19: {  	s7 =	sld [smem:$0x3F9E]  }
0x1a: {  	s8 =	sadd.s32 $0xFFFFE003, lr  }
0x1b: {  	s9 =	sadd.s32 $0xFFFFFEF7, lr;
	s5 =	simm.s32 $0xFFFFFFFF;
	p2 =	slt.u32 s8, $0xFFFFF086  }
0x1c: {  	p1 =	slt.u32 s9, $0xF7A;
	s5 =	simm.s32 @!p2 $0x0  }
0x1d: {  	s5 =	simm.s32 @p1 $0x1;
	p0 =	seq.s32 s7, s2  }
0x1e: {  	s7 =	smul.u32 @!p0 $0xF7A, s2;
	p2 =	seq.s32 @!p0 s5, $0x0  }
0x1f: {  	s9 =	smul.u32 $0xF7A, s1;
	s8 =	simm.s32 @!p0 $0x1BF5;
	p2 =	por !p2, p0  }
0x20: {  	[sflag:s8] =	ssyncset.s32 @!p0 $0xFFFFF086;
	s6 =	sadd.s32 @!p0 s3, s7;
	s7 =	simm.s32 @!p0 $0x108  }
0x21: {  	s3 =	sadd.s32 s3, s9;
	s6 =	sadd.s32 @!p0 $0x88, s6;
	s7 =	simm.s32 @p2 $0x1082  }
0x22: {  	[simem:s7], [sflag:s8] =	dma.local @!p0 [hbm:s6], $0xF7A  }
0x23: {  	s9 =	sor.u32 $0xD0000000, s2;
	s6 =	simm.s32 $0x108;
	_ =	swait.ge @!p0 [sflag:s8], $0x0  }
0x24: {  	s3 =	sadd.s32 $0x88, s3;
	s6 =	simm.s32 @!p1 $0x1082;
	[sflag:s4] =	ssyncset.s32 $0xFFFFF086  }
0x25: {  	[simem:s6], [sflag:s4] =	dma.local [hbm:s3], $0xF7A  }
0x26: {  	[smem:$0x3F9E] =	sst s1;
	(tag) =	ssettag s2;
	_ =	strace s9  }
0x27: {  	s1 =	sld [smem:$0x3FAE]  }
0x28: {  	s2 =	sld [smem:$0x3FAF]  }
0x29: {  	s4 =	sld [smem:$0x3FB1]  }
0x2a: {  	p0 =	seq.s32 s5, $0x0;
	s5 =	sld [smem:$0x3FB2]  }
0x2b: {  	s6 =	sld [smem:$0x3FB3]  }
0x2c: {  	s7 =	sld [smem:$0x3FB4]  }
0x2d: {  	s3 =	simm.s32 $0x108;
	s8 =	sld [smem:$0x3FB5]  }
0x2e: {  	s3 =	simm.s32 @!p0 $0x1082;
	s9 =	sld [smem:$0x3FB6]  }
0x2f: {  	lr =	sadd.s32 s0, s3;
	s0 =	sld [smem:$0x3FAD]  }
0x30: {  	s3 =	sld [smem:$0x3FB0]  }
0x31: {  	[smem:$0x3FB9] =	sst s10  }
0x32: {  	s10 =	sld [smem:$0x3FB7];
	_ =	sdelay $0x3  }
0x33: {  	p0 =	seq.s32 s10, $0x1;
	s10 =	sld [smem:$0x3FB9];
	_ =	sdelay $0x3  }
0x34: {  	[smem:$0x3FB9] =	sst s10  }
0x35: {  	s10 =	sld [smem:$0x3FB8];
	_ =	sdelay $0x3  }
0x36: {  	p1 =	seq.s32 s10, $0x1;
	s10 =	sld [smem:$0x3FB9];
	_ =	sdelay $0x3  }
0x37: {  	[smem:$0x3FB9] =	sst s10  }
0x38: {  	s10 =	sld [smem:$0x3FBA]  }
0x39: {  	_ = 	snop;
	(pc) =	sbr.ind lr, $3  }
0x3a: {  	_ = 	snop  }
0x3b: {  	_ = 	snop  }
0x3c: {  	p2 =	seq.s32 s10, $0x1;
	s10 =	sld [smem:$0x3FB9]  }
0x3d: {  	_ =	shalt  }
0x3e: {  	_ =	shalt  }
0x3f: {  	_ =	shalt  }
0x40: {  	_ =	shalt  }
0x41: {  	_ =	shalt  }
0x42: {  	_ =	shalt  }
0x43: {  	_ =	shalt  }
0x44: {  	_ =	shalt  }
0x45: {  	_ =	shalt  }
0x46: {  	_ =	shalt  }
0x47: {  	_ =	shalt  }
0x48: {  	_ =	shalt  }
0x49: {  	_ =	shalt  }
0x4a: {  	_ =	shalt  }
0x4b: {  	_ =	shalt  }
0x4c: {  	_ =	shalt  }
0x4d: {  	_ =	shalt  }
0x4e: {  	_ =	shalt  }
0x4f: {  	_ =	shalt  }
0x50: {  	_ =	shalt  }
0x51: {  	_ =	shalt  }
0x52: {  	_ =	shalt  }
0x53: {  	_ =	shalt  }
0x54: {  	_ =	shalt  }
0x55: {  	_ =	shalt  }
0x56: {  	_ =	shalt  }
0x57: {  	_ =	shalt  }
0x58: {  	_ =	shalt  }
0x59: {  	_ =	shalt  }
0x5a: {  	_ =	shalt  }
0x5b: {  	_ =	shalt  }
0x5c: {  	_ =	shalt  }
0x5d: {  	_ =	shalt  }
0x5e: {  	_ =	shalt  }
0x5f: {  	_ =	shalt  }
0x60: {  	_ =	shalt  }
0x61: {  	_ =	shalt  }
0x62: {  	_ =	shalt  }
0x63: {  	_ =	shalt  }
0x64: {  	_ =	shalt  }
0x65: {  	_ =	shalt  }
0x66: {  	_ =	shalt  }
0x67: {  	_ =	shalt  }
0x68: {  	_ =	shalt  }
0x69: {  	_ =	shalt  }
0x6a: {  	_ =	shalt  }
0x6b: {  	_ =	shalt  }
0x6c: {  	_ =	shalt  }
0x6d: {  	_ =	shalt  }
0x6e: {  	_ =	shalt  }
0x6f: {  	_ =	shalt  }
0x70: {  	_ =	shalt  }
0x71: {  	_ =	shalt  }
0x72: {  	_ =	shalt  }
0x73: {  	_ =	shalt  }
0x74: {  	_ =	shalt  }
0x75: {  	_ =	shalt  }
0x76: {  	_ =	shalt  }
0x77: {  	_ =	shalt  }
0x78: {  	_ =	shalt  }
0x79: {  	_ =	shalt  }
0x7a: {  	_ =	shalt  }
0x7b: {  	_ =	shalt  }
0x7c: {  	_ =	shalt  }
0x7d: {  	_ =	shalt  }
0x7e: {  	_ =	shalt  }
0x7f: {  	_ =	shalt  }
0x80: {  	_ =	shalt  }
0x81: {  	_ =	shalt  }
0x82: {  	_ =	shalt  }
0x83: {  	_ =	shalt  }
0x84: {  	_ =	shalt  }
0x85: {  	_ =	shalt  }
0x86: {  	_ =	shalt  }
0x87: {  	_ =	shalt  }
.Lfunc_end0:
.L_simem_size_0:
called_computation_lowered:
.L_overlay_start_0:
0x88: {  	s2 =	sld [smem:$0x3FD9]  }
0x89: {  	s3 =	sld [smem:$0x3FFE];
	_ =	sdelay $0x1  }
0x8a: {  	s1 =	srdreg.scid  }
0x8b: {  	s0 =	sand.u32 $0x1, s1  }
0x8c: {  	s14 =	sshll.u32 s0, $0xA;
	s2 =	sadd.s32 s3, s2  }
0x8d: {  	s2 =	sadd.s32 s2, s14  }
0x8e: {  	[smem:$0x3FC5] =	sst s2  }
0x8f: {  	_ = 	snop  }
0x90: {  	s2 =	sld [smem:$0x3FD0];
	_ =	sdelay $0x2  }
0x91: {  	s15 =	simm.s32 $0xA;
	s4 =	simm.s32 $0x10  }
0x92: {  	[smem:s4], [sflag:s15] =	dma.local [hbm:s2], $0x1  }
0x93: {  	_ =	swait.eq [sflag:s15], $0x1  }
0x94: {  	[sflag:s15] =	ssyncset.done $0x0  }
0x95: {  	s16 =	sld [smem:$0x10];
	[sflag:s15] =	ssyncadd.s32 $0xFFFFFFFF  }
0x96: {  	s17 =	sld [smem:$0x11];
	(tm) =	ssettm $0x1  }
0x97: {  	s18 =	sld [smem:$0x3FFB];
	_ =	sdelay $0x3  }
0x98: {  	_ =	strace s18  }
0x99: {  	s4 =	sld [smem:$0x3FFC];
	_ =	sdelay $0x3  }
0x9a: {  	_ =	strace s4  }
0x9b: {  	s4 =	sld [smem:$0x3FFD];
	_ =	sdelay $0x3  }
0x9c: {  	_ =	strace s4  }
0x9d: {  	_ =	strace $0x8FFFFFFF  }
0x9e: {  	s19 =	sld [smem:$0x3FDB];
	_ =	sdelay $0x1  }
0x9f: {  	s5 =	simm.s32 $_scs_section_size  }
0xa0: {  	s6 =	simm.s32 $_size__tile_overlayer_lowered;
	s7 =	simm.s32 $_tile_overlayer_lowered  }
0xa1: {  	s22 =	simm.s32 $0x1BFF;
	s21 =	sshll.u32 s7, $0x1;
	s4 =	sadd.s32 s5, s19  }
0xa2: {  	s8 =	simm.s32 $0x0;
	s20 =	sshll.u32 s6, $0x1;
	s6 =	sadd.s32 s21, s4  }
0xa3: {  	[timem:s8], [sflag:s22] =	dma.local [hbm:s6], s20  }
0xa4: {  	_ =	swait.ge [sflag:s22], s20  }
0xa5: {  	s5 =	ssub.s32 $0x0, s20;
	[sflag:s22] =	ssyncset.done $0x0  }
0xa6: {  	[sflag:s22] =	ssyncadd.s32 s5;
	_ =	sdelay $0x1  }
0xa7: {  	s23 =	simm.s32 $0x1B8B  }
0xa8: {  	_ =	swait.ge [sflag:s23], $0x1  }
0xa9: {  	[sflag:s23] =	ssyncset.done $0x0  }
0xaa: {  	s25 =	simm.s32 $0x1B8E;
	s24 =	sld [smem:$0x3FFE];
	[sflag:s23] =	ssyncadd.s32 $0xFFFFFFFF  }
0xab: {  	s26 =	simm.s32 $execute0_lowered;
	[smem:$0x3FD2] =	sst s25  }
0xac: {  	s6 =	sshll.u32 s26, $0x1;
	_ =	strace $0x80000046;
	[dreg:$0x1] =	wrdreg $0xFFFFFFFF  }
0xad: {  	s28 =	simm.s32 $_size_execute0_lowered;
	s4 =	sadd.s32 s4, s6;
	[dreg:$0x0] =	wrdreg $0x0  }
0xae: {  	s6 =	sshll.u32 s28, $0x1;
	[dreg:$0x2] =	wrdreg s4  }
0xaf: {  	[dreg:$0x3] =	wrdreg s6  }
0xb0: {  	[dreg:$0x4] =	wrdreg $0xC0  }
0xb1: {  	_ =	task [dreg:s8], $0x5FFFF  }
0xb2: {  	[dreg:$0x1] =	wrdreg $0xFFFFFFFF  }
0xb3: {  	[dreg:$0x0] =	wrdreg $0x60  }
0xb4: {  	[dreg:$0x2] =	wrdreg s24  }
0xb5: {  	[dreg:$0x3] =	wrdreg s16  }
0xb6: {  	[dreg:$0x4] =	wrdreg s17  }
0xb7: {  	[dreg:$0x5] =	wrdreg $0x9  }
0xb8: {  	_ =	task.clear_ibuf [dreg:s8], $0x6FFFF;
	_ =	strace $0x90000046  }
0xb9: {  	s29 =	simm.s32 $0x9;
	_ =	strace $0x80000048  }
0xba: {  	_ =	swait.ge [sflag:s29], $0x1  }
0xbb: {  	[sflag:s29] =	ssyncadd.s32 $0xFFFFFFFF  }
0xbc: {  	_ =	strace $0x90000048  }
0xbd: {  	_ =	sfence  }
0xbe: {  	s30 =	sld [smem:$0x0];
	_ =	sdelay $0x2  }
0xbf: {  	s31 =	sshll.u32 s1, $0xD;
	s1 =	sshrl.u32 s1, $0x2  }
0xc0: {  	s3 =	sand.u32 $0x4000, s31;
	s1 =	sadd.s32 s1, s30  }
0xc1: {  	s0 =	sor.u32 s3, s0;
	s1 =	sshll.u32 s1, $0x11  }
0xc2: {  	s0 =	sor.u32 s1, s0  }
0xc3: {  	s0 =	sadd.s32 $0x8F2B, s0  }
0xc4: {  	[sflag:s0] =	ssyncadd.remote.s32 $0x1  }
0xc5: {  	_ =	sfence.sel $0xFFFF  }
0xc6: {  	[dreg:$0x0] =	wrdreg $0xFFFFFFFF;
	(pc) =	sbr.abs _section_cstart, $3  }
0xc7: {  	[dreg:$0x1] =	wrdreg $0xFFFFFFFF  }
0xc8: {  	_ =	task.clear_ibuf [dreg:s8], $0x2FFFF;
	_ =	strace $0x9FFFFFFF  }
0xc9: {  	(tm) =	ssettm $0x7FFFFFFF  }
tec
execute0_lowered:
.L_overlay_start_1:
0x0: {  	(tag) =	ssettag $0x1  }
0x1: {  	s3 =	rddreg [dreg:$0x0]  }
0x2: {  	s5 =	rddreg [dreg:$0x1]  }
0x3: {  	s6 =	rddreg [dreg:$0x2];
	s2 =	srdreg.scid  }
0x4: {  	s0 =	rddreg [dreg:$0x3];
	s1 =	stileid.u32;
	s10 =	simm.s32 $0x2400  }
0x5: {  	s11 =	simm.s32 $0x2C00;
	s12 =	simm.s32 $0x0;
	s4 =	sand.u32 $0x1, s2  }
0x6: {  	s2 =	simm.s32 $0x0;
	s7 =	sshll.u32 s1, $0xB;
	s8 =	sshll.u32 s4, $0xA  }
0x7: {  	[smem:$0x7FF] =	sst s2;
	s4 =	ssub.s32 $0x2, s4;
	s7 =	sor.u32 s8, s7  }
0x8: {  	_ =	strace $0x80000047;
	s9 =	sshrl.u32 s4, $0x1;
	s8 =	sadd.s32 s7, s3  }
0x9: {  	s3 =	sadd.s32 $0x8E00, s3;
	s9 =	ssub.s32 s4, s9;
	s7 =	sshrl.u32 s7, $0x2  }
0xa: {  	s4 =	sadd.s32 $0xE00, s8;
	s5 =	sadd.s32 s5, s7;
	s6 =	sadd.s32 s6, s7  }
0xb: {  	v9 =	vimm.s32 $0x0;
	s7 =	smax.u32 s9, $0x1;
	s8 =	simm.s32 $0x1;
	s9 =	simm.s32 $0x2000  }
.LBB2_1:
0xc: {  	[tilespmem:s2], [sflag:$0x1] =	stream.linear.gather [hbm4b:s4+s2], $0x2000, $0x38;
	[tilespmem:$0x3400] =	vst v63  }
0xd: {  	_ =	swait.ge [sflag:s8], $0x2000  }
0xe: {  	[sflag:s8] =	ssyncset.done $0x0  }
0xf: {  	[sflag:s8] =	ssyncadd.s32 $0xFFFFE000  }
0x10: {  	[tilespmem:s9], [sflag:$0x1] =	stream.linear.gather [hbm4b:s3+s2], $0x400, $0x38;
	[tilespmem:$0x3400] =	vst v63  }
0x11: {  	_ =	swait.ge [sflag:s8], $0x400  }
0x12: {  	s13 =	simm.s32 $0xFFFFFFF8;
	s14 =	simm.s32 $0x200;
	[sflag:s8] =	ssyncset.done $0x0  }
0x13: {  	s15 =	simm.s32 $0x2480;
	s16 =	simm.s32 $0x2C80;
	[sflag:s8] =	ssyncadd.s32 $0xFFFFFC00  }
.LBB2_2:
0x14: {  	v1 =	vld [tilespmem:s14+$0xFFFFFE00]  }
0x15: {  	v2 =	vld [tilespmem:s14+$0xFFFFFE80]  }
0x16: {  	v3 =	vld [tilespmem:s14+$0xFFFFFF00]  }
0x17: {  	v4 =	vld [tilespmem:s14+$0xFFFFFF80]  }
0x18: {  	v5 =	vld [tilespmem:s14+$0x0]  }
0x19: {  	v6 =	vld [tilespmem:s14+$0x80];
	v1 =	vmul.f32 $1.442695020e+00, v1  }
0x1a: {  	v7 =	vld [tilespmem:s14+$0x100];
	v2 =	vmul.f32 $1.442695020e+00, v2  }
0x1b: {  	v8 =	vld [tilespmem:s14+$0x180];
	v28 =	vmul.f32 $1.442695020e+00, v3;
	(erf) = vpow2.f32 v1  }
0x1c: {  	v29 =	vmul.f32 $1.442695020e+00, v4;
	(erf) = vpow2.f32 v2  }
0x1d: {  	v30 =	vmul.f32 $1.442695020e+00, v5;
	(erf) = vpow2.f32 v28  }
0x1e: {  	v31 =	vmul.f32 $1.442695020e+00, v6;
	(erf) = vpow2.f32 v29  }
0x1f: {  	v32 =	vmul.f32 $1.442695020e+00, v7;
	(erf) = vpow2.f32 v30  }
0x20: {  	v33 =	vmul.f32 $1.442695020e+00, v8;
	(erf) = vpow2.f32 v31  }
0x21: {  	(erf) = vpow2.f32 v32  }
0x22: {  	(erf) = vpow2.f32 v33;
	_ =	sdelay $0x1  }
0x23: {  	v25 =	vpop (erf)  }
0x24: {  	v26 =	vpop (erf)  }
0x25: {  	v24 =	vpop (erf)  }
0x26: {  	v31 =	vpop (erf)  }
0x27: {  	v18 =	vpop (erf)  }
0x28: {  	v17 =	vpop (erf)  }
0x29: {  	v15 =	vpop (erf)  }
0x2a: {  	v34 =	vadd.f32 v26, v25;
	v35 =	vadd.f32 v31, v24;
	v14 =	vpop (erf)  }
0x2b: {  	v36 =	vadd.f32 v17, v18;
	v37 =	vadd.f32 v14, v15;
	_ =	sdelay $0x1  }
0x2c: {  	v1 =	vadd.f32 v35, v34;
	v38 =	vadd.f32 v37, v36;
	_ =	sdelay $0x1  }
0x2d: {  	v1 =	vadd.f32 v38, v1;
	_ =	sdelay $0x1  }
0x2e: {  	(erf) = vrcp.f32 v1  }
0x2f: {  	v11 =	vld [tilespmem:s14+$0xFFFFFE10]  }
0x30: {  	v16 =	vld [tilespmem:s14+$0xFFFFFE90]  }
0x31: {  	v21 =	vld [tilespmem:s14+$0xFFFFFF90]  }
0x32: {  	v47 =	vld [tilespmem:s14+$0x90]  }
0x33: {  	v58 =	vld [tilespmem:$0x2000]  }
0x34: {  	v29 =	vld [tilespmem:s14+$0x190]  }
0x35: {  	v8 =	vld [tilespmem:$0x2080]  }
0x36: {  	v39 =	vld [tilespmem:$0x2100];
	v11 =	vmul.f32 $1.442695020e+00, v11;
	v16 =	vmul.f32 $1.442695020e+00, v16  }
0x37: {  	v3 =	vld [tilespmem:$0x2200];
	v50 =	vmul.f32 $1.442695020e+00, v21;
	v5 =	vmul.f32 $1.442695020e+00, v47;
	v41 =	vpop (erf)  }
0x38: {  	v20 =	vld [tilespmem:s14+$0xFFFFFF10];
	v43 =	vmul.f32 v41, v25;
	v10 =	vmul.f32 v41, v26  }
0x39: {  	v40 =	vld [tilespmem:$0x2180];
	v52 =	vmul.f32 $1.442695020e+00, v29;
	v44 =	vmul.f32 v41, v24  }
0x3a: {  	v42 =	vld [tilespmem:$0x2280];
	v12 =	vadd.f32 v43, v58;
	v27 =	vadd.f32 v10, v8;
	v10 =	vmul.f32 v41, v18  }
0x3b: {  	v0 =	vld [tilespmem:$0x2300];
	(erf) = vpow2.f32 v11;
	v13 =	vmul.f32 v41, v31  }
0x3c: {  	v28 =	vadd.f32 v44, v39;
	v32 =	vadd.f32 v10, v3;
	v10 =	vld [tilespmem:s14+$0x10];
	vm0 =	vgt.f32 v27, v12  }
0x3d: {  	v4 =	vld [tilespmem:$0x2380];
	v11 =	vmul.f32 $1.442695020e+00, v20;
	(erf) = vpow2.f32 v16;
	v22 =	vsel vm0, v27, v12  }
0x3e: {  	v23 =	vld [tilespmem:s14+$0x110];
	v19 =	vmul.f32 v41, v17;
	v13 =	vadd.f32 v13, v40;
	vm1 =	vgt.f32 v28, v22  }
0x3f: {  	v45 =	vmul.f32 v41, v15;
	v46 =	vmovc v41;
	(erf) = vpow2.f32 v11;
	v49 =	vsel vm1, v28, v22  }
0x40: {  	v48 =	vmul.f32 v46, v14;
	(erf) = vpow2.f32 v50;
	vm2 =	vgt.f32 v13, v49  }
0x41: {  	v33 =	vadd.f32 v19, v42;
	v11 =	vmul.f32 $1.442695020e+00, v10;
	v20 =	vsel vm2, v13, v49  }
0x42: {  	v34 =	vadd.f32 v0, v45;
	v35 =	vadd.f32 v4, v48;
	vm3 =	vgt.f32 v32, v20  }
0x43: {  	(erf) = vpow2.f32 v11;
	v11 =	vmul.f32 $1.442695020e+00, v23;
	v51 =	vsel vm3, v32, v20  }
0x44: {  	v53 =	vsel vm0, $0x1, v9;
	(erf) = vpow2.f32 v5;
	vm4 =	vgt.f32 v33, v51  }
0x45: {  	(erf) = vpow2.f32 v11;
	v11 =	vsel vm1, $0x2, v53;
	v16 =	vsel vm4, v33, v51  }
0x46: {  	(erf) = vpow2.f32 v52;
	v54 =	vsel vm2, $0x3, v11;
	vm0 =	vgt.f32 v34, v16  }
0x47: {  	v5 =	vsel vm3, $0x4, v54;
	v11 =	vsel vm0, v34, v16  }
0x48: {  	v16 =	vpop (erf);
	v5 =	vsel vm4, $0x5, v5;
	vm9 =	vgt.f32 v35, v11  }
0x49: {  	v30 =	vpop (erf);
	v5 =	vsel vm0, $0x6, v5;
	vm1 =	vmneg vm9  }
0x4a: {  	vm10 =	vlt.f32 v12, $-Inf;
	vm11 =	vgt.f32 v12, $-Inf;
	v29 =	vpop (erf);
	v9 =	vnsel vm1, $0x7, v5  }
0x4b: {  	vm2 =	vmor vm11, vm10;
	v23 =	vpop (erf);
	vm12 =	vne.s32 v9, $0x0  }
0x4c: {  	v22 =	vpop (erf);
	vm2 =	vmand vm2, vm12  }
0x4d: {  	v21 =	vpop (erf);
	v11 =	vnsel vm2, $0xFF800000, v12  }
0x4e: {  	vm13 =	vne.s32 v9, $0x1;
	v20 =	vpop (erf);
	vm14 =	vgt.f32 v27, v11  }
0x4f: {  	v55 =	vadd.f32 v30, v16;
	v36 =	vadd.f32 v23, v29;
	v19 =	vpop (erf);
	vm2 =	vmand vm13, vm14  }
0x50: {  	v37 =	vadd.f32 v21, v22;
	v38 =	vadd.f32 v19, v20;
	v11 =	vsel vm2, v27, v11  }
0x51: {  	vm15 =	vne.s32 v9, $0x2;
	vm8 =	vgt.f32 v28, v11  }
0x52: {  	v12 =	vadd.f32 v36, v55;
	v56 =	vadd.f32 v38, v37;
	vm3 =	vmand vm15, vm8  }
0x53: {  	v11 =	vsel vm3, v28, v11  }
0x54: {  	vm9 =	vne.s32 v9, $0x3;
	v12 =	vadd.f32 v56, v12;
	vm5 =	vgt.f32 v13, v11  }
0x55: {  	vm4 =	vmand vm9, vm5  }
0x56: {  	(erf) = vrcp.f32 v12;
	v11 =	vsel vm4, v13, v11  }
0x57: {  	vm10 =	vne.s32 v9, $0x4;
	vm6 =	vgt.f32 v32, v11  }
0x58: {  	v57 =	vimm.s32 $0x0;
	vm5 =	vmand vm10, vm6  }
0x59: {  	v6 =	vmov v40;
	v40 =	vld [tilespmem:s14+$0xFFFFFF20];
	v59 =	vsel vm2, $0x1, v57;
	v11 =	vsel vm5, v32, v11  }
0x5a: {  	v49 =	vld [tilespmem:s14+$0xFFFFFEA0];
	vm11 =	vne.s32 v9, $0x5;
	v12 =	vsel vm3, $0x2, v59;
	vm12 =	vgt.f32 v33, v11  }
0x5b: {  	v12 =	vsel vm4, $0x3, v12;
	vm2 =	vmand vm11, vm12  }
0x5c: {  	v60 =	vsel vm2, v33, v11;
	v11 =	vsel vm5, $0x4, v12;
	_ =	sdelay $0x1  }
0x5d: {  	v55 =	vimm.s32 $0x0;
	v59 =	vmul.f32 $1.442695020e+00, v40  }
0x5e: {  	v5 =	vld [tilespmem:s14+$0xFFFFFE20];
	v32 =	vmul.f32 $1.442695020e+00, v49;
	vm13 =	vgt.f32 v34, v60;
	v12 =	vsel vm2, $0x5, v11;
	v11 =	vpop (erf)  }
0x5f: {  	v54 =	vld [tilespmem:s14+$0x20];
	vm2 =	vmand vm0, vm1;
	vm14 =	vmneg vm13;
	v61 =	vmul.f32 v11, v16  }
0x60: {  	vm3 =	vmor vm2, vm14;
	v62 =	vmul.f32 v11, v30;
	v63 =	vmul.f32 v11, v29  }
0x61: {  	v1 =	vmovc v0;
	v52 =	vld [tilespmem:s14+$0xFFFFFFA0];
	v13 =	vsel vm3, v60, v34;
	v0 =	vmul.f32 v11, v23;
	v47 =	vmul.f32 v11, v22  }
0x62: {  	v45 =	vld [tilespmem:s14+$0x120];
	v34 =	vnsel vm3, $0x6, v12;
	v48 =	vmul.f32 v11, v21;
	v50 =	vmul.f32 v11, v20  }
0x63: {  	v7 =	vmovc v39;
	v57 =	vld [tilespmem:s14+$0xA0];
	v51 =	vmul.f32 v11, v19;
	v12 =	vmul.f32 $1.442695020e+00, v5;
	v27 =	vadd.f32 v61, v58  }
0x64: {  	v2 =	vmovc v42;
	v46 =	vld [tilespmem:s14+$0x1A0];
	v60 =	vmul.f32 $1.442695020e+00, v54;
	v36 =	vadd.f32 v62, v8;
	v37 =	vadd.f32 v63, v7  }
0x65: {  	[tilespmem:$0x1FF60] =	vst v41;
	vm15 =	vgt.f32 v35, v13;
	v38 =	vadd.f32 v0, v6;
	v41 =	vadd.f32 v47, v3  }
0x66: {  	v13 =	vmul.f32 $1.442695020e+00, v52;
	v42 =	vadd.f32 v48, v2;
	v43 =	vadd.f32 v50, v1  }
0x67: {  	v44 =	vadd.f32 v51, v4;
	(erf) = vpow2.f32 v12;
	vm9 =	vgt.f32 v36, v27  }
0x68: {  	v61 =	vmul.f32 $1.442695020e+00, v57;
	v62 =	vmul.f32 $1.442695020e+00, v45;
	v39 =	vsel vm9, v36, v27  }
0x69: {  	v63 =	vmul.f32 $1.442695020e+00, v46;
	vm5 =	vmand vm1, vm15;
	vm10 =	vgt.f32 v37, v39  }
0x6a: {  	(erf) = vpow2.f32 v32;
	vm3 =	vmor vm5, vm3;
	v53 =	vsel vm10, v37, v39  }
0x6b: {  	(erf) = vpow2.f32 v59;
	vm15 =	vlt.f32 v27, $-Inf;
	vm11 =	vgt.f32 v38, v53  }
0x6c: {  	vm7 =	vgt.f32 v27, $-Inf;
	v59 =	vimm.s32 $0x0;
	v28 =	vsel vm11, v38, v53  }
0x6d: {  	v56 =	vsel vm9, $0x1, v55;
	(erf) = vpow2.f32 v13;
	vm12 =	vgt.f32 v41, v28  }
0x6e: {  	v13 =	vsel vm5, $0x7, v34;
	vm6 =	vmor vm7, vm15;
	v28 =	vsel vm12, v41, v28  }
0x6f: {  	(erf) = vpow2.f32 v60;
	vm9 =	veq.s32 v13, $0x1;
	vm13 =	vgt.f32 v42, v28  }
0x70: {  	v35 =	vsel vm10, $0x2, v56;
	(erf) = vpow2.f32 v61;
	v28 =	vsel vm13, v42, v28  }
0x71: {  	(erf) = vpow2.f32 v62;
	v35 =	vsel vm11, $0x3, v35;
	vm4 =	vgt.f32 v43, v28  }
0x72: {  	(erf) = vpow2.f32 v63;
	v0 =	vsel vm12, $0x4, v35;
	v28 =	vsel vm4, v43, v28  }
0x73: {  	vm12 =	veq.s32 v9, $0x1;
	v5 =	vsel vm13, $0x5, v0;
	vm14 =	vgt.f32 v44, v28  }
0x74: {  	v33 =	vpop (erf);
	v48 =	vsel vm12, v26, v25;
	v12 =	vsel vm4, $0x6, v5;
	vm0 =	vmneg vm14  }
0x75: {  	v35 =	vpop (erf);
	v25 =	vsel vm9, v26, v25;
	vm12 =	veq.s32 v13, $0x2;
	v12 =	vnsel vm0, $0x7, v12  }
0x76: {  	v32 =	vpop (erf);
	vm13 =	veq.s32 v9, $0x2;
	v50 =	vsel vm12, v24, v25;
	vm8 =	vne.s32 v12, $0x0  }
0x77: {  	v51 =	vadd.f32 v35, v33;
	v34 =	vsel vm13, v24, v48;
	v28 =	vpop (erf);
	vm6 =	vmand vm6, vm8  }
0x78: {  	vm14 =	vne.s32 v12, $0x1;
	v52 =	vadd.f32 v28, v32;
	v49 =	vnsel vm6, $0xFF800000, v27;
	v27 =	vpop (erf)  }
0x79: {  	vm13 =	vne.s32 v12, $0x2;
	vm12 =	vne.s32 v12, $0x3;
	vm15 =	vgt.f32 v36, v49;
	v26 =	vpop (erf)  }
0x7a: {  	vm8 =	veq.s32 v9, $0x4;
	v54 =	vadd.f32 v52, v51;
	vm6 =	vmand vm14, vm15;
	v25 =	vpop (erf)  }
0x7b: {  	v53 =	vadd.f32 v26, v27;
	vm15 =	veq.s32 v9, $0x3;
	v36 =	vsel vm6, v36, v49;
	v24 =	vpop (erf)  }
0x7c: {  	v34 =	vsel vm15, v31, v34;
	v60 =	vsel vm6, $0x1, v59;
	v47 =	vadd.f32 v24, v25  }
0x7d: {  	vm6 =	veq.s32 v12, $0x2;
	vm14 =	vgt.f32 v37, v36;
	v34 =	vsel vm8, v18, v34  }
0x7e: {  	vm8 =	veq.s32 v9, $0x5;
	vm7 =	vmand vm13, vm14;
	v55 =	vadd.f32 v47, v53  }
0x7f: {  	vm13 =	veq.s32 v13, $0x3;
	v34 =	vsel vm8, v17, v34;
	v36 =	vsel vm7, v37, v36  }
0x80: {  	vm14 =	veq.s32 v13, $0x5;
	vm10 =	vgt.f32 v38, v36;
	v37 =	vadd.f32 v55, v54  }
0x81: {  	v31 =	vsel vm13, v31, v50;
	v57 =	vsel vm2, v15, v34;
	vm9 =	vmand vm12, vm10  }
0x82: {  	v59 =	vld [tilespmem:s14+$0xFFFFFFB0];
	vm12 =	veq.s32 v13, $0x4;
	v36 =	vsel vm9, v38, v36;
	(erf) = vrcp.f32 v37  }
0x83: {  	v53 =	vld [tilespmem:s14+$0xFFFFFEB0];
	vm10 =	vne.s32 v12, $0x4;
	v18 =	vsel vm12, v18, v31;
	vm11 =	vgt.f32 v41, v36  }
0x84: {  	v34 =	vsel vm7, $0x2, v60;
	v17 =	vsel vm14, v17, v18;
	v18 =	vld [tilespmem:s14+$0xFFFFFE30];
	vm10 =	vmand vm10, vm11  }
0x85: {  	vm2 =	vmand vm4, vm0;
	v61 =	vsel vm9, $0x3, v34;
	v56 =	vsel vm10, v41, v36  }
0x86: {  	vm11 =	vne.s32 v12, $0x5;
	v34 =	vsel vm10, $0x4, v61;
	v61 =	vld [tilespmem:s14+$0x30];
	vm12 =	vgt.f32 v42, v56  }
0x87: {  	v62 =	vsel vm1, v57, v14;
	v37 =	vmul.f32 $1.442695020e+00, v59;
	vm11 =	vmand vm11, vm12  }
0x88: {  	v15 =	vsel vm3, v17, v15;
	v38 =	vmul.f32 $1.442695020e+00, v53;
	v31 =	vsel vm11, v42, v56  }
0x89: {  	v5 =	vsel vm11, $0x5, v34;
	vm11 =	veq.s32 v12, $0x1;
	v36 =	vmul.f32 $1.442695020e+00, v18  }
0x8a: {  	v63 =	vsel vm5, v14, v15;
	vm15 =	vgt.f32 v43, v31;
	v60 =	vsel vm11, v30, v16  }
0x8b: {  	[tilespmem:$0x1FF70] =	vst v62;
	v62 =	vld [tilespmem:s14+$0xB0];
	vm8 =	vmneg vm15;
	(erf) = vpow2.f32 v36;
	v34 =	vmul.f32 $1.442695020e+00, v61;
	v15 =	vpop (erf)  }
0x8c: {  	[tilespmem:$0x1FFD0] =	vst v13;
	v45 =	vsel vm6, v29, v60;
	(erf) = vpow2.f32 v38;
	v13 =	vmul.f32 v15, v33  }
0x8d: {  	vm4 =	vmor vm2, vm8;
	v17 =	vmul.f32 v15, v35;
	v51 =	vmul.f32 v15, v32  }
0x8e: {  	v56 =	vld [tilespmem:s14+$0xFFFFFF30];
	v31 =	vsel vm4, v31, v43;
	v52 =	vmul.f32 v15, v28;
	v54 =	vmul.f32 v15, v27  }
0x8f: {  	v14 =	vnsel vm4, $0x6, v5;
	v55 =	vmul.f32 v15, v26;
	v57 =	vmul.f32 v15, v25  }
0x90: {  	[tilespmem:$0x1FF80] =	vst v63;
	vm10 =	vgt.f32 v44, v31;
	v63 =	vmul.f32 v15, v24;
	v31 =	vmul.f32 $1.442695020e+00, v62  }
0x91: {  	vm3 =	vmand vm0, vm10;
	v40 =	vadd.f32 v13, v58;
	v41 =	vadd.f32 v17, v8  }
0x92: {  	v50 =	vld [tilespmem:s14+$0x130];
	v5 =	vsel vm3, $0x7, v14;
	v43 =	vadd.f32 v51, v7;
	v44 =	vadd.f32 v52, v6  }
0x93: {  	v46 =	vadd.f32 v54, v3;
	v51 =	vld [tilespmem:s14+$0x1B0];
	v17 =	vmul.f32 $1.442695020e+00, v56;
	vm12 =	vgt.f32 v41, v40  }
0x94: {  	v47 =	vadd.f32 v55, v2;
	v48 =	vadd.f32 v57, v1;
	v49 =	vsel vm12, v41, v40  }
0x95: {  	vm10 =	veq.s32 v5, $0x1;
	(erf) = vpow2.f32 v17;
	vm13 =	vgt.f32 v43, v49  }
0x96: {  	v30 =	vsel vm10, v30, v16;
	(erf) = vpow2.f32 v37;
	v18 =	vsel vm13, v43, v49  }
0x97: {  	(erf) = vpow2.f32 v34;
	v49 =	vmul.f32 $1.442695020e+00, v50;
	vm14 =	vgt.f32 v44, v18  }
0x98: {  	(erf) = vpow2.f32 v31;
	v50 =	vmul.f32 $1.442695020e+00, v51;
	v42 =	vsel vm14, v44, v18  }
0x99: {  	vm10 =	veq.s32 v5, $0x5;
	(erf) = vpow2.f32 v49;
	vm15 =	vgt.f32 v46, v42  }
0x9a: {  	v37 =	vpop (erf);
	v51 =	vimm.s32 $0x0;
	(erf) = vpow2.f32 v50;
	v36 =	vsel vm15, v46, v42  }
0x9b: {  	v39 =	vpop (erf);
	v52 =	vsel vm12, $0x1, v51;
	vm12 =	vlt.f32 v40, $-Inf;
	vm9 =	vgt.f32 v47, v36  }
0x9c: {  	v59 =	vadd.f32 v39, v37;
	v53 =	vsel vm13, $0x2, v52;
	v36 =	vsel vm9, v47, v36  }
0x9d: {  	v54 =	vsel vm14, $0x3, v53;
	v42 =	vadd.f32 v63, v4;
	vm5 =	vgt.f32 v48, v36  }
0x9e: {  	vm13 =	vgt.f32 v40, $-Inf;
	v31 =	vsel vm15, $0x4, v54;
	v38 =	vpop (erf);
	v55 =	vsel vm5, v48, v36  }
0x9f: {  	vm14 =	veq.s32 v5, $0x2;
	v56 =	vsel vm9, $0x5, v31;
	vm11 =	vgt.f32 v42, v55;
	v36 =	vpop (erf)  }
0xa0: {  	vm7 =	vmor vm13, vm12;
	v16 =	vsel vm5, $0x6, v56;
	vm1 =	vmneg vm11;
	v34 =	vpop (erf)  }
0xa1: {  	v57 =	vsel vm14, v29, v30;
	v60 =	vadd.f32 v36, v38;
	v16 =	vnsel vm1, $0x7, v16;
	v31 =	vpop (erf)  }
0xa2: {  	vm9 =	veq.s32 v12, $0x5;
	vm15 =	vne.s32 v16, $0x0;
	vm13 =	vne.s32 v16, $0x1;
	v30 =	vpop (erf)  }
0xa3: {  	v52 =	vadd.f32 v31, v34;
	v61 =	vadd.f32 v60, v59;
	vm11 =	vne.s32 v16, $0x4;
	v29 =	vpop (erf)  }
0xa4: {  	vm12 =	vmand vm7, vm15;
	vm7 =	veq.s32 v12, $0x3;
	v53 =	vadd.f32 v29, v30  }
0xa5: {  	vm15 =	veq.s32 v5, $0x3;
	v40 =	vnsel vm12, $0xFF800000, v40;
	vm12 =	vne.s32 v16, $0x2  }
0xa6: {  	v45 =	vsel vm7, v23, v45;
	vm14 =	vgt.f32 v41, v40;
	v62 =	vadd.f32 v53, v52  }
0xa7: {  	v23 =	vsel vm15, v23, v57;
	vm6 =	vmand vm13, vm14;
	vm14 =	veq.s32 v12, $0x4  }
0xa8: {  	v40 =	vsel vm6, v41, v40;
	v63 =	vsel vm14, v22, v45;
	v41 =	vadd.f32 v62, v61  }
0xa9: {  	vm15 =	vne.s32 v16, $0x3;
	vm13 =	vgt.f32 v43, v40;
	v13 =	vsel vm9, v21, v63  }
0xaa: {  	v63 =	vimm.s32 $0x0;
	vm7 =	vmand vm12, vm13;
	(erf) = vrcp.f32 v41  }
0xab: {  	v59 =	vld [tilespmem:s14+$0xFFFFFEC0];
	vm13 =	veq.s32 v5, $0x4;
	v17 =	vsel vm2, v20, v13;
	v40 =	vsel vm7, v43, v40  }
0xac: {  	v22 =	vsel vm13, v22, v23;
	v43 =	vimm.s32 $0x0;
	vm12 =	vgt.f32 v44, v40  }
0xad: {  	v21 =	vsel vm10, v21, v22;
	vm8 =	vmand vm15, vm12;
	vm15 =	vmor vm3, vm4  }
0xae: {  	v60 =	vld [tilespmem:s14+$0xFFFFFFC0];
	vm10 =	vne.s32 v16, $0x5;
	v0 =	vsel vm8, v44, v40;
	v20 =	vsel vm15, v21, v20  }
0xaf: {  	v44 =	vsel vm6, $0x1, v43;
	vm12 =	vgt.f32 v46, v0;
	v49 =	vsel vm3, v19, v20;
	v20 =	vld [tilespmem:s14+$0xFFFFFE40]  }
0xb0: {  	v43 =	vmul.f32 $1.442695020e+00, v59;
	v45 =	vsel vm7, $0x2, v44;
	vm14 =	vmand vm11, vm12  }
0xb1: {  	v21 =	vsel vm8, $0x3, v45;
	vm8 =	veq.s32 v16, $0x4;
	v23 =	vsel vm14, v46, v0  }
0xb2: {  	v46 =	vsel vm0, v17, v19;
	v50 =	vsel vm14, $0x4, v21;
	vm11 =	vgt.f32 v47, v23  }
0xb3: {  	vm0 =	vmand vm5, vm1;
	v21 =	vmul.f32 $1.442695020e+00, v60;
	vm12 =	vmand vm10, vm11;
	v19 =	vpop (erf)  }
0xb4: {  	v47 =	vsel vm12, v47, v23;
	v20 =	vmul.f32 $1.442695020e+00, v20;
	v52 =	vmul.f32 v19, v37  }
0xb5: {  	v17 =	vld [tilespmem:s14+$0xFFFFFF40];
	v51 =	vsel vm12, $0x5, v50;
	v53 =	vmul.f32 v19, v39;
	v54 =	vmul.f32 v19, v38  }
0xb6: {  	vm13 =	vgt.f32 v48, v47;
	v55 =	vmul.f32 v19, v36;
	v56 =	vmul.f32 v19, v34  }
0xb7: {  	v57 =	vmul.f32 v19, v31;
	v0 =	vmul.f32 v19, v30;
	vm14 =	vmneg vm13  }
0xb8: {  	[tilespmem:$0x1FFE0] =	vst v5;
	v62 =	vld [tilespmem:s14+$0x40];
	v5 =	vmul.f32 v19, v29;
	(erf) = vpow2.f32 v20;
	vm3 =	vmor vm0, vm14  }
0xb9: {  	[tilespmem:$0x1FF90] =	vst v46;
	v46 =	vadd.f32 v52, v58;
	v40 =	vsel vm3, v47, v48;
	v47 =	vadd.f32 v53, v8  }
0xba: {  	v17 =	vmul.f32 $1.442695020e+00, v17;
	v52 =	vadd.f32 v56, v3;
	(erf) = vpow2.f32 v43  }
0xbb: {  	vm15 =	vgt.f32 v42, v40;
	v40 =	vadd.f32 v54, v7;
	vm9 =	vgt.f32 v47, v46  }
0xbc: {  	v44 =	vadd.f32 v0, v1;
	(erf) = vpow2.f32 v17;
	v13 =	vsel vm9, v47, v46  }
0xbd: {  	v48 =	vmul.f32 $1.442695020e+00, v62;
	v42 =	vadd.f32 v55, v6;
	v55 =	vld [tilespmem:s14+$0x140];
	vm10 =	vgt.f32 v40, v13  }
0xbe: {  	v45 =	vnsel vm3, $0x6, v51;
	(erf) = vpow2.f32 v21;
	v61 =	vsel vm10, v40, v13;
	v13 =	vld [tilespmem:s14+$0xC0]  }
0xbf: {  	v56 =	vld [tilespmem:s14+$0x1C0];
	v53 =	vadd.f32 v57, v2;
	v54 =	vadd.f32 v5, v4;
	(erf) = vpow2.f32 v48  }
0xc0: {  	vm5 =	vmand vm1, vm15;
	vm15 =	vlt.f32 v46, $-Inf;
	vm11 =	vgt.f32 v42, v61  }
0xc1: {  	v5 =	vsel vm9, $0x1, v63;
	v21 =	vsel vm5, $0x7, v45;
	v41 =	vsel vm11, v42, v61  }
0xc2: {  	[tilespmem:$0x1FFA0] =	vst v49;
	v49 =	vsel vm10, $0x2, v5;
	v51 =	vmul.f32 $1.442695020e+00, v55;
	vm12 =	vgt.f32 v52, v41  }
0xc3: {  	v49 =	vsel vm11, $0x3, v49;
	v41 =	vsel vm12, v52, v41;
	v50 =	vmul.f32 $1.442695020e+00, v13  }
0xc4: {  	v55 =	vmul.f32 $1.442695020e+00, v56;
	v56 =	vsel vm12, $0x4, v49;
	vm13 =	vgt.f32 v53, v41  }
0xc5: {  	vm12 =	vgt.f32 v46, $-Inf;
	v41 =	vsel vm13, v53, v41;
	(erf) = vpow2.f32 v50  }
0xc6: {  	vm6 =	vmor vm12, vm15;
	vm4 =	vgt.f32 v44, v41;
	(erf) = vpow2.f32 v51  }
0xc7: {  	vm15 =	veq.s32 v21, $0x1;
	v41 =	vsel vm4, v44, v41;
	(erf) = vpow2.f32 v55  }
0xc8: {  	vm12 =	veq.s32 v16, $0x2;
	v57 =	vsel vm13, $0x5, v56;
	vm14 =	vgt.f32 v54, v41  }
0xc9: {  	v20 =	vsel vm4, $0x6, v57;
	v50 =	vpop (erf);
	vm2 =	vmneg vm14;
	vm14 =	veq.s32 v16, $0x1  }
0xca: {  	v51 =	vpop (erf);
	v20 =	vnsel vm2, $0x7, v20;
	v59 =	vsel vm14, v35, v33;
	v33 =	vsel vm15, v35, v33  }
0xcb: {  	v49 =	vpop (erf);
	vm15 =	veq.s32 v21, $0x2;
	v63 =	vadd.f32 v51, v50;
	vm13 =	vne.s32 v20, $0x0  }
0xcc: {  	v48 =	vpop (erf);
	v61 =	vsel vm12, v32, v59;
	v62 =	vsel vm15, v32, v33;
	vm6 =	vmand vm6, vm13  }
0xcd: {  	vm12 =	vne.s32 v20, $0x2;
	v0 =	vadd.f32 v48, v49;
	v60 =	vnsel vm6, $0xFF800000, v46;
	v46 =	vpop (erf)  }
0xce: {  	vm15 =	vne.s32 v20, $0x3;
	vm13 =	vne.s32 v20, $0x1;
	vm14 =	vgt.f32 v47, v60;
	v41 =	vpop (erf)  }
0xcf: {  	vm10 =	vne.s32 v20, $0x4;
	v13 =	vadd.f32 v0, v63;
	vm6 =	vmand vm13, vm14;
	v33 =	vpop (erf)  }
0xd0: {  	vm14 =	veq.s32 v16, $0x3;
	v35 =	vsel vm6, v47, v60;
	v5 =	vadd.f32 v41, v46;
	v32 =	vpop (erf)  }
0xd1: {  	v43 =	vsel vm14, v28, v61;
	vm13 =	vgt.f32 v40, v35;
	v57 =	vadd.f32 v32, v33  }
0xd2: {  	vm14 =	veq.s32 v21, $0x5;
	v47 =	vimm.s32 $0x0;
	vm7 =	vmand vm12, vm13  }
0xd3: {  	v63 =	vld [tilespmem:s14+$0xFFFFFF50];
	v18 =	vsel vm8, v27, v43;
	v35 =	vsel vm7, v40, v35;
	v17 =	vadd.f32 v57, v5  }
0xd4: {  	vm8 =	veq.s32 v16, $0x5;
	vm13 =	veq.s32 v21, $0x3;
	vm12 =	vgt.f32 v42, v35  }
0xd5: {  	v43 =	vsel vm8, v26, v18;
	vm9 =	vmand vm15, vm12;
	v40 =	vadd.f32 v17, v13  }
0xd6: {  	v28 =	vsel vm13, v28, v62;
	v45 =	vsel vm0, v25, v43;
	v35 =	vsel vm9, v42, v35  }
0xd7: {  	vm0 =	veq.s32 v20, $0x1;
	vm11 =	vgt.f32 v52, v35;
	(erf) = vrcp.f32 v40  }
0xd8: {  	v63 =	vmul.f32 $1.442695020e+00, v63;
	v55 =	vsel vm1, v45, v24;
	vm10 =	vmand vm10, vm11  }
0xd9: {  	vm12 =	veq.s32 v21, $0x4;
	vm15 =	vmor vm5, vm3;
	v42 =	vsel vm10, v52, v35  }
0xda: {  	v27 =	vsel vm12, v27, v28;
	v13 =	vld [tilespmem:s14+$0x50];
	vm11 =	vne.s32 v20, $0x5;
	vm12 =	vgt.f32 v53, v42  }
0xdb: {  	vm3 =	vmand vm4, vm2;
	v40 =	vld [tilespmem:s14+$0xFFFFFED0];
	v52 =	vsel vm6, $0x1, v47;
	vm11 =	vmand vm11, vm12  }
0xdc: {  	v26 =	vsel vm14, v26, v27;
	v35 =	vsel vm7, $0x2, v52;
	v28 =	vsel vm11, v53, v42  }
0xdd: {  	v25 =	vsel vm15, v26, v25;
	v53 =	vsel vm9, $0x3, v35;
	vm12 =	vgt.f32 v44, v28  }
0xde: {  	v57 =	vsel vm5, v24, v25;
	v26 =	vsel vm10, $0x4, v53;
	vm13 =	vmneg vm12  }
0xdf: {  	v13 =	vmul.f32 $1.442695020e+00, v13;
	v59 =	vsel vm11, $0x5, v26;
	vm4 =	vmor vm3, vm13  }
0xe0: {  	v40 =	vmul.f32 $1.442695020e+00, v40;
	v26 =	vld [tilespmem:s14+$0xFFFFFE50];
	v56 =	vsel vm4, v28, v44;
	v25 =	vnsel vm4, $0x6, v59;
	v24 =	vpop (erf)  }
0xe1: {  	v59 =	vsel vm0, v39, v37;
	v60 =	vmul.f32 v24, v50;
	v61 =	vmul.f32 v24, v51  }
0xe2: {  	v45 =	vld [tilespmem:s14+$0xFFFFFFD0];
	vm14 =	vgt.f32 v54, v56;
	v62 =	vmul.f32 v24, v49;
	v0 =	vmul.f32 v24, v48  }
0xe3: {  	vm1 =	vmand vm2, vm14;
	v5 =	vmul.f32 v24, v46;
	v35 =	vmul.f32 v24, v41  }
0xe4: {  	v42 =	vmul.f32 v24, v33;
	v25 =	vsel vm1, $0x7, v25;
	v53 =	vadd.f32 v60, v58  }
0xe5: {  	[tilespmem:$0x1FFB0] =	vst v55;
	v26 =	vmul.f32 $1.442695020e+00, v26;
	v54 =	vadd.f32 v61, v8;
	v55 =	vadd.f32 v62, v7;
	v60 =	vld [tilespmem:s14+$0xD0]  }
0xe6: {  	[tilespmem:$0x1FFC0] =	vst v57;
	vm4 =	vmor vm1, vm4;
	v56 =	vadd.f32 v0, v6;
	v57 =	vadd.f32 v5, v3;
	v61 =	vld [tilespmem:s14+$0x150]  }
0xe7: {  	v17 =	vmovc v58;
	v62 =	vld [tilespmem:s14+$0x1D0];
	v5 =	vmul.f32 $1.442695020e+00, v45;
	v58 =	vadd.f32 v35, v2;
	(erf) = vpow2.f32 v26  }
0xe8: {  	v44 =	vadd.f32 v42, v1;
	vm15 =	vgt.f32 v54, v53;
	(erf) = vpow2.f32 v40  }
0xe9: {  	vm6 =	veq.s32 v25, $0x2;
	v0 =	vsel vm15, v54, v53;
	(erf) = vpow2.f32 v63  }
0xea: {  	v63 =	vimm.s32 $0x0;
	vm12 =	vgt.f32 v55, v0;
	(erf) = vpow2.f32 v5  }
0xeb: {  	v22 =	vmovc v2;
	v2 =	vsel vm15, $0x1, v63;
	v47 =	vmul.f32 $1.442695020e+00, v60;
	(erf) = vpow2.f32 v13  }
0xec: {  	v45 =	vsel vm12, v55, v0;
	v52 =	vmul.f32 $1.442695020e+00, v61;
	v60 =	vmul.f32 $1.442695020e+00, v62  }
0xed: {  	v62 =	vmul.f32 v24, v32;
	v40 =	vsel vm12, $0x2, v2;
	vm13 =	vgt.f32 v56, v45  }
0xee: {  	vm12 =	veq.s32 v25, $0x1;
	v43 =	vsel vm13, v56, v45;
	(erf) = vpow2.f32 v47  }
0xef: {  	vm14 =	vgt.f32 v57, v43;
	(erf) = vpow2.f32 v52;
	v52 =	vadd.f32 v62, v4  }
0xf0: {  	v14 =	vmovc v4;
	v4 =	vsel vm13, $0x3, v40;
	v61 =	vsel vm14, v57, v43;
	(erf) = vpow2.f32 v60  }
0xf1: {  	v35 =	vsel vm14, $0x4, v4;
	v60 =	vsel vm12, v39, v37;
	vm15 =	vgt.f32 v58, v61  }
0xf2: {  	vm14 =	veq.s32 v20, $0x2;
	vm12 =	vlt.f32 v53, $-Inf;
	v42 =	vpop (erf);
	v26 =	vsel vm15, v58, v61  }
0xf3: {  	v59 =	vsel vm14, v38, v59;
	vm14 =	veq.s32 v20, $0x3;
	v47 =	vpop (erf);
	vm5 =	vgt.f32 v44, v26  }
0xf4: {  	v38 =	vsel vm6, v38, v60;
	v35 =	vsel vm15, $0x5, v35;
	v45 =	vpop (erf);
	v26 =	vsel vm5, v44, v26  }
0xf5: {  	v61 =	vadd.f32 v47, v42;
	v43 =	vpop (erf);
	v5 =	vsel vm5, $0x6, v35;
	vm13 =	vgt.f32 v52, v26  }
0xf6: {  	v40 =	vpop (erf);
	v62 =	vadd.f32 v43, v45;
	vm0 =	vmneg vm13;
	vm13 =	vgt.f32 v53, $-Inf  }
0xf7: {  	v59 =	vsel vm14, v36, v59;
	v26 =	vnsel vm0, $0x7, v5;
	v39 =	vpop (erf);
	vm8 =	vmor vm13, vm12  }
0xf8: {  	v61 =	vadd.f32 v62, v61;
	vm13 =	veq.s32 v25, $0x3;
	v5 =	vld [tilespmem:s14+$0xFFFFFF60];
	vm15 =	vne.s32 v26, $0x0;
	v37 =	vpop (erf)  }
0xf9: {  	v63 =	vadd.f32 v39, v40;
	v36 =	vsel vm13, v36, v38;
	v35 =	vpop (erf);
	vm7 =	vmand vm8, vm15  }
0xfa: {  	vm14 =	vne.s32 v26, $0x2;
	v13 =	vadd.f32 v35, v37;
	v53 =	vnsel vm7, $0xFF800000, v53  }
0xfb: {  	vm13 =	veq.s32 v25, $0x4;
	vm15 =	vne.s32 v26, $0x1;
	vm12 =	vgt.f32 v54, v53  }
0xfc: {  	vm9 =	vne.s32 v26, $0x5;
	v38 =	vld [tilespmem:s14+$0xFFFFFEE0];
	v0 =	vadd.f32 v13, v63;
	vm6 =	vmand vm15, vm12  }
0xfd: {  	vm12 =	veq.s32 v20, $0x4;
	v63 =	vimm.s32 $0x0;
	v5 =	vmul.f32 $1.442695020e+00, v5  }
0xfe: {  	v53 =	vsel vm6, v54, v53;
	v60 =	vsel vm12, v34, v59;
	v0 =	vadd.f32 v0, v61  }
0xff: {  	v34 =	vsel vm13, v34, v36;
	vm12 =	veq.s32 v20, $0x5;
	v36 =	vld [tilespmem:s14+$0xFFFFFE60];
	vm15 =	vgt.f32 v55, v53  }
0x100: {  	vm13 =	veq.s32 v25, $0x5;
	vm7 =	vmand vm14, vm15;
	(erf) = vrcp.f32 v0  }
0x101: {  	v38 =	vmul.f32 $1.442695020e+00, v38;
	vm14 =	vne.s32 v26, $0x3;
	v61 =	vsel vm7, v55, v53  }
0x102: {  	v0 =	vsel vm12, v31, v60;
	v31 =	vsel vm13, v31, v34;
	vm15 =	vgt.f32 v56, v61  }
0x103: {  	v54 =	vld [tilespmem:s14+$0xFFFFFFE0];
	v0 =	vsel vm3, v30, v0;
	v31 =	vsel vm4, v31, v30;
	vm8 =	vmand vm14, vm15  }
0x104: {  	vm14 =	vne.s32 v26, $0x4;
	v0 =	vsel vm2, v0, v29;
	v36 =	vmul.f32 $1.442695020e+00, v36  }
0x105: {  	v31 =	vsel vm1, v29, v31;
	vm2 =	vmand vm5, vm0;
	v62 =	vsel vm8, v56, v61  }
0x106: {  	[tilespmem:$0x1FFF0] =	vst v0;
	v0 =	vsel vm6, $0x1, v63;
	vm15 =	vgt.f32 v57, v62;
	(erf) = vpow2.f32 v36  }
0x107: {  	v0 =	vsel vm7, $0x2, v0;
	vm3 =	vmand vm14, vm15;
	(erf) = vpow2.f32 v38;
	v38 =	vld [tilespmem:s14+$0x160]  }
0x108: {  	v54 =	vmul.f32 $1.442695020e+00, v54;
	v2 =	vsel vm8, $0x3, v0;
	v34 =	vsel vm3, v57, v62  }
0x109: {  	(erf) = vpow2.f32 v5;
	v2 =	vsel vm3, $0x4, v2;
	vm3 =	veq.s32 v26, $0x4;
	v29 =	vpop (erf)  }
0x10a: {  	vm10 =	vgt.f32 v58, v34;
	(erf) = vpow2.f32 v54;
	v0 =	vmul.f32 v29, v42  }
0x10b: {  	v56 =	vld [tilespmem:s14+$0x60];
	vm4 =	vmand vm9, vm10;
	v4 =	vmul.f32 v29, v47;
	v13 =	vmul.f32 v29, v45  }
0x10c: {  	v57 =	vld [tilespmem:s14+$0xE0];
	v53 =	vsel vm4, v58, v34;
	v30 =	vmul.f32 v29, v43;
	v38 =	vmul.f32 $1.442695020e+00, v38  }
0x10d: {  	v58 =	vadd.f32 v0, v17;
	v59 =	vadd.f32 v4, v8;
	v0 =	vmul.f32 v29, v40  }
0x10e: {  	vm10 =	vgt.f32 v44, v53;
	v60 =	vadd.f32 v13, v7;
	v13 =	vmul.f32 v29, v37  }
0x10f: {  	v61 =	vadd.f32 v30, v6;
	v62 =	vadd.f32 v0, v3;
	vm11 =	vgt.f32 v59, v58;
	v0 =	vld [tilespmem:s14+$0x1E0]  }
0x110: {  	v55 =	vadd.f32 v13, v1;
	v13 =	vmul.f32 $1.442695020e+00, v56;
	v30 =	vsel vm11, v59, v58  }
0x111: {  	v57 =	vmul.f32 $1.442695020e+00, v57;
	vm5 =	vmneg vm10;
	vm12 =	vgt.f32 v60, v30  }
0x112: {  	v4 =	vmul.f32 v29, v39;
	(erf) = vpow2.f32 v13;
	v5 =	vsel vm12, v60, v30  }
0x113: {  	vm5 =	vmor vm2, vm5;
	(erf) = vpow2.f32 v57;
	vm13 =	vgt.f32 v61, v5  }
0x114: {  	v4 =	vadd.f32 v4, v22;
	v34 =	vsel vm13, v61, v5;
	v36 =	vmul.f32 $1.442695020e+00, v0  }
0x115: {  	v57 =	vimm.s32 $0x0;
	(erf) = vpow2.f32 v38;
	vm14 =	vgt.f32 v62, v34  }
0x116: {  	v10 =	vmovc v3;
	v27 =	vmovc v1;
	v63 =	vsel vm11, $0x1, v57;
	v34 =	vsel vm14, v62, v34;
	(erf) = vpow2.f32 v36  }
0x117: {  	v56 =	vpop (erf);
	v13 =	vsel vm5, v53, v44;
	v30 =	vmul.f32 v29, v35;
	vm15 =	vgt.f32 v4, v34  }
0x118: {  	vm9 =	vgt.f32 v52, v13;
	v0 =	vsel vm12, $0x2, v63;
	v57 =	vpop (erf);
	v34 =	vsel vm15, v4, v34  }
0x119: {  	v5 =	vadd.f32 v30, v14;
	v1 =	vsel vm13, $0x3, v0;
	v63 =	vpop (erf);
	vm11 =	vgt.f32 v55, v34  }
0x11a: {  	vm7 =	vmand vm0, vm9;
	v36 =	vsel vm14, $0x4, v1;
	v54 =	vpop (erf);
	v34 =	vsel vm11, v55, v34  }
0x11b: {  	vm13 =	vlt.f32 v58, $-Inf;
	v36 =	vsel vm15, $0x5, v36;
	v53 =	vpop (erf);
	vm12 =	vgt.f32 v5, v34  }
0x11c: {  	vm14 =	vgt.f32 v58, $-Inf;
	v3 =	vsel vm11, $0x6, v36;
	v52 =	vpop (erf);
	vm1 =	vmneg vm12  }
0x11d: {  	vm6 =	vmor vm14, vm13;
	v30 =	vadd.f32 v52, v53;
	v34 =	vnsel vm1, $0x7, v3  }
0x11e: {  	v44 =	vpop (erf);
	vm12 =	veq.s32 v26, $0x1;
	v3 =	vsel vm4, $0x5, v2;
	vm15 =	vne.s32 v34, $0x0  }
0x11f: {  	v2 =	vadd.f32 v54, v63;
	vm10 =	vne.s32 v34, $0x1;
	vm6 =	vmand vm6, vm15;
	v36 =	vpop (erf)  }
0x120: {  	v38 =	vnsel vm6, $0xFF800000, v58;
	v58 =	vadd.f32 v57, v56;
	v13 =	vadd.f32 v36, v44  }
0x121: {  	v3 =	vnsel vm5, $0x6, v3;
	vm13 =	vne.s32 v34, $0x2;
	vm6 =	vgt.f32 v59, v38  }
0x122: {  	vm4 =	vmand vm10, vm6;
	v2 =	vadd.f32 v2, v58;
	v0 =	vadd.f32 v13, v30  }
0x123: {  	v30 =	vsel vm12, v51, v50;
	vm12 =	veq.s32 v26, $0x2;
	v59 =	vsel vm4, v59, v38  }
0x124: {  	v38 =	vsel vm7, $0x7, v3;
	v30 =	vsel vm12, v49, v30;
	vm12 =	veq.s32 v26, $0x3  }
0x125: {  	vm14 =	vgt.f32 v60, v59;
	vm15 =	veq.s32 v38, $0x1;
	v0 =	vadd.f32 v0, v2  }
0x126: {  	vm10 =	veq.s32 v38, $0x4;
	vm6 =	vmand vm13, vm14;
	v58 =	vsel vm15, v51, v50  }
0x127: {  	vm13 =	vne.s32 v34, $0x3;
	vm15 =	veq.s32 v38, $0x2;
	v13 =	vsel vm6, v60, v59  }
0x128: {  	(erf) = vrcp.f32 v0;
	v49 =	vsel vm15, v49, v58;
	v58 =	vld [tilespmem:s14+$0xFFFFFE70];
	vm14 =	vgt.f32 v61, v13  }
0x129: {  	v0 =	vsel vm12, v48, v30;
	vm15 =	veq.s32 v38, $0x3;
	v60 =	vld [tilespmem:s14+$0xFFFFFF70];
	vm8 =	vmand vm13, vm14  }
0x12a: {  	v1 =	vsel vm15, v48, v49;
	v0 =	vsel vm3, v46, v0;
	v48 =	vld [tilespmem:s14+$0xF0];
	v51 =	vsel vm8, v61, v13  }
0x12b: {  	vm3 =	veq.s32 v26, $0x5;
	vm13 =	vne.s32 v34, $0x4;
	vm14 =	vgt.f32 v62, v51  }
0x12c: {  	vm12 =	vne.s32 v34, $0x5;
	v59 =	vld [tilespmem:s14+$0xFFFFFEF0];
	v0 =	vsel vm3, v41, v0;
	vm9 =	vmand vm13, vm14  }
0x12d: {  	v1 =	vsel vm10, v46, v1;
	v13 =	vsel vm2, v33, v0;
	v2 =	vsel vm9, v62, v51  }
0x12e: {  	vm2 =	vmand vm11, vm1;
	v3 =	vmul.f32 $1.442695020e+00, v58;
	vm13 =	vgt.f32 v4, v2  }
0x12f: {  	v58 =	vmul.f32 $1.442695020e+00, v60;
	v48 =	vmul.f32 $1.442695020e+00, v48;
	vm10 =	vmand vm12, vm13  }
0x130: {  	(erf) = vpow2.f32 v3;
	vm12 =	veq.s32 v38, $0x5;
	v2 =	vsel vm10, v4, v2  }
0x131: {  	v50 =	vld [tilespmem:s14+$0xFFFFFFF0];
	v1 =	vsel vm12, v41, v1;
	v41 =	vpop (erf);
	v4 =	vmul.f32 $1.442695020e+00, v59;
	vm12 =	vgt.f32 v55, v2  }
0x132: {  	v3 =	vld [tilespmem:s14+$0x1F0];
	v61 =	vmul.f32 v41, v56;
	v62 =	vmul.f32 v41, v57;
	vm3 =	vmneg vm12  }
0x133: {  	v30 =	vmul.f32 v41, v63;
	v59 =	vmul.f32 v41, v53;
	vm3 =	vmor vm2, vm3  }
0x134: {  	(erf) = vpow2.f32 v4;
	v60 =	vadd.f32 v62, v8;
	v2 =	vsel vm3, v2, v55;
	v55 =	vld [tilespmem:s14+$0x70]  }
0x135: {  	v4 =	vld [tilespmem:s14+$0x170];
	v62 =	vmul.f32 v41, v52;
	vm11 =	vgt.f32 v5, v2;
	v2 =	vmul.f32 v41, v54  }
0x136: {  	v5 =	vadd.f32 v61, v17;
	v61 =	vadd.f32 v30, v7;
	v30 =	vmul.f32 $1.442695020e+00, v50  }
0x137: {  	vm5 =	vmor vm7, vm5;
	(erf) = vpow2.f32 v58;
	v3 =	vmul.f32 $1.442695020e+00, v3  }
0x138: {  	v23 =	vmovc v7;
	v28 =	vmovc v6;
	v7 =	vadd.f32 v62, v22;
	v6 =	vadd.f32 v2, v6;
	(erf) = vpow2.f32 v30  }
0x139: {  	vm12 =	vgt.f32 v60, v5;
	v30 =	vmul.f32 v41, v44;
	v58 =	vmul.f32 $1.442695020e+00, v55  }
0x13a: {  	v4 =	vmul.f32 $1.442695020e+00, v4;
	v55 =	vadd.f32 v59, v10;
	v59 =	vsel vm12, v60, v5  }
0x13b: {  	v62 =	vadd.f32 v30, v27;
	vm13 =	vgt.f32 v61, v59;
	(erf) = vpow2.f32 v58  }
0x13c: {  	v30 =	vmul.f32 v41, v36;
	v46 =	vsel vm13, v61, v59;
	(erf) = vpow2.f32 v48  }
0x13d: {  	v58 =	vimm.s32 $0x0;
	vm14 =	vgt.f32 v6, v46;
	(erf) = vpow2.f32 v4  }
0x13e: {  	v59 =	vsel vm12, $0x1, v58;
	v46 =	vsel vm14, v6, v46;
	(erf) = vpow2.f32 v3  }
0x13f: {  	v18 =	vmov v8;
	v1 =	vsel vm5, v1, v33;
	vm15 =	vgt.f32 v55, v46  }
0x140: {  	v49 =	vpop (erf);
	vm5 =	vlt.f32 v5, $-Inf;
	v8 =	vadd.f32 v30, v14;
	v46 =	vsel vm15, v55, v46  }
0x141: {  	v30 =	vsel vm0, v13, v32;
	v3 =	vsel vm13, $0x2, v59;
	v59 =	vpop (erf);
	vm13 =	vgt.f32 v7, v46  }
0x142: {  	v13 =	vsel vm7, v32, v1;
	v1 =	vimm.s32 $0x0;
	v58 =	vpop (erf);
	v46 =	vsel vm13, v7, v46  }
0x143: {  	v1 =	vsel vm4, $0x1, v1;
	v3 =	vsel vm14, $0x3, v3;
	v51 =	vpop (erf);
	vm12 =	vgt.f32 v62, v46  }
0x144: {  	vm4 =	veq.s32 v34, $0x1;
	v3 =	vsel vm15, $0x4, v3;
	v2 =	vsel vm12, v62, v46;
	v50 =	vpop (erf)  }
0x145: {  	v1 =	vsel vm6, $0x2, v1;
	v3 =	vsel vm13, $0x5, v3;
	vm13 =	vgt.f32 v8, v2;
	v46 =	vpop (erf)  }
0x146: {  	v3 =	vsel vm12, $0x6, v3;
	vm0 =	vmneg vm13;
	vm13 =	vgt.f32 v5, $-Inf;
	v48 =	vpop (erf)  }
0x147: {  	v1 =	vsel vm8, $0x3, v1;
	v32 =	vnsel vm0, $0x7, v3;
	vm5 =	vmor vm13, vm5;
	v33 =	vpop (erf)  }
0x148: {  	v3 =	vadd.f32 v46, v50;
	vm14 =	vne.s32 v32, $0x0;
	v2 =	vadd.f32 v33, v48  }
0x149: {  	v4 =	vadd.f32 v59, v49;
	v0 =	vadd.f32 v51, v58;
	vm15 =	vmand vm5, vm14  }
0x14a: {  	v1 =	vsel vm9, $0x4, v1;
	v2 =	vadd.f32 v2, v3;
	v3 =	vnsel vm15, $0xFF800000, v5  }
0x14b: {  	v0 =	vadd.f32 v0, v4;
	vm8 =	vne.s32 v32, $0x1;
	vm9 =	vgt.f32 v60, v3  }
0x14c: {  	v1 =	vsel vm10, $0x5, v1;
	vm10 =	vmand vm1, vm11;
	vm5 =	vmand vm8, vm9  }
0x14d: {  	v1 =	vnsel vm3, $0x6, v1;
	v0 =	vadd.f32 v2, v0;
	v2 =	vsel vm5, v60, v3  }
0x14e: {  	v4 =	vsel vm4, v47, v42;
	vm13 =	vne.s32 v32, $0x2;
	vm14 =	vgt.f32 v61, v2  }
0x14f: {  	vm15 =	veq.s32 v34, $0x2;
	v60 =	vsel vm10, $0x7, v1;
	vm6 =	vmand vm13, vm14  }
0x150: {  	(erf) = vrcp.f32 v0;
	vm7 =	veq.s32 v60, $0x1;
	v2 =	vsel vm6, v61, v2  }
0x151: {  	v0 =	vsel vm15, v45, v4;
	vm14 =	vne.s32 v32, $0x3;
	vm15 =	vgt.f32 v6, v2  }
0x152: {  	vm4 =	vne.s32 v32, $0x4;
	v5 =	vsel vm7, v47, v42;
	vm7 =	vmand vm14, vm15  }
0x153: {  	vm9 =	veq.s32 v34, $0x3;
	vm11 =	veq.s32 v60, $0x3;
	v2 =	vsel vm7, v6, v2  }
0x154: {  	vm13 =	veq.s32 v60, $0x2;
	v0 =	vsel vm9, v43, v0;
	vm8 =	vgt.f32 v55, v2  }
0x155: {  	v1 =	vsel vm13, v45, v5;
	vm13 =	veq.s32 v60, $0x4;
	vm9 =	vmand vm4, vm8  }
0x156: {  	v1 =	vsel vm11, v43, v1;
	vm11 =	veq.s32 v34, $0x4;
	v2 =	vsel vm9, v55, v2  }
0x157: {  	v1 =	vsel vm13, v40, v1;
	vm13 =	vne.s32 v32, $0x5;
	vm14 =	vgt.f32 v7, v2  }
0x158: {  	v0 =	vsel vm11, v40, v0;
	vm8 =	vmand vm13, vm14  }
0x159: {  	vm15 =	veq.s32 v60, $0x5;
	vm4 =	veq.s32 v34, $0x5;
	v2 =	vsel vm8, v7, v2  }
0x15a: {  	v1 =	vsel vm15, v39, v1;
	v0 =	vsel vm4, v39, v0;
	v40 =	vpop (erf);
	vm11 =	vgt.f32 v62, v2  }
0x15b: {  	vm4 =	vmand vm12, vm0;
	v6 =	vmul.f32 v40, v49;
	vm12 =	vmneg vm11  }
0x15c: {  	vm13 =	vmor vm10, vm3;
	v39 =	vmul.f32 v40, v50;
	vm3 =	vmor vm4, vm12  }
0x15d: {  	v42 =	vld [tilespmem:$0x1FF60];
	v0 =	vsel vm2, v37, v0;
	v3 =	vadd.f32 v6, v17;
	v2 =	vsel vm3, v2, v62  }
0x15e: {  	v17 =	vmul.f32 v40, v59;
	vm2 =	vgt.f32 v8, v2;
	v2 =	vadd.f32 v39, v10;
	v10 =	vld [tilespmem:$0x1FF80];
	_ =	sdelay $0x1  }
0x15f: {  	v4 =	vadd.f32 v17, v18;
	v18 =	vmul.f32 v40, v58  }
0x160: {  	v0 =	vsel vm1, v0, v35  }
0x161: {  	v43 =	vld [tilespmem:$0x1FF70];
	v1 =	vsel vm13, v1, v37;
	v5 =	vadd.f32 v18, v23;
	v23 =	vmul.f32 v40, v51  }
0x162: {  	vm14 =	vgt.f32 v4, v3;
	v8 =	vsel vm10, v35, v1;
	v35 =	vmul.f32 v10, v42;
	v10 =	vld [tilespmem:$0x1FF90]  }
0x163: {  	v61 =	vimm.s32 $0x0;
	v47 =	vmul.f32 v40, v46;
	v37 =	vsel vm14, v4, v3  }
0x164: {  	v55 =	vmul.f32 v40, v48;
	v6 =	vadd.f32 v23, v28;
	vm15 =	vgt.f32 v5, v37  }
0x165: {  	v0 =	vmul.f32 v0, v29;
	v7 =	vadd.f32 v47, v22;
	v45 =	vsel vm15, v5, v37  }
0x166: {  	vm11 =	vgt.f32 v3, $-Inf;
	v62 =	vmul.f32 v40, v33;
	vm12 =	vgt.f32 v6, v45  }
0x167: {  	v18 =	vmul.f32 v43, v42;
	v1 =	vsel vm12, v6, v45;
	v22 =	vmul.f32 v10, v11;
	v10 =	vld [tilespmem:$0x1FFA0]  }
0x168: {  	vm10 =	vlt.f32 v3, $-Inf;
	v39 =	vsel vm14, $0x1, v61;
	vm13 =	vgt.f32 v2, v1  }
0x169: {  	vm2 =	vmand vm0, vm2;
	[tilespmem:s15+$0xFFFFFF80] =	vst v18;
	v39 =	vsel vm15, $0x2, v39;
	v1 =	vsel vm13, v2, v1  }
0x16a: {  	v43 =	vld [tilespmem:$0x1FFB0];
	v37 =	vadd.f32 v55, v27;
	v39 =	vsel vm12, $0x3, v39;
	[tilespmem:s15+$0x0] =	vst v35;
	vm14 =	vgt.f32 v7, v1  }
0x16b: {  	v45 =	vld [tilespmem:$0x1FFC0];
	v39 =	vsel vm13, $0x4, v39;
	[tilespmem:s16+$0xFFFFFF80] =	vst v9;
	v9 =	vimm.s32 $0x0;
	v1 =	vsel vm14, v7, v1  }
0x16c: {  	v11 =	vmul.f32 v10, v11;
	v10 =	vadd.f32 v62, v14;
	v14 =	vimm.s32 $0x0  }
0x16d: {  	v27 =	vsel vm14, $0x5, v39;
	v23 =	vsel vm5, $0x1, v14;
	vm5 =	vgt.f32 v37, v1  }
0x16e: {  	v23 =	vsel vm6, $0x2, v23;
	v1 =	vsel vm5, v37, v1;
	v42 =	vsel vm5, $0x6, v27  }
0x16f: {  	vm6 =	vmor vm11, vm10;
	vm15 =	vgt.f32 v10, v1;
	v17 =	vsel vm7, $0x3, v23  }
0x170: {  	v23 =	vmul.f32 v43, v15;
	v15 =	vmul.f32 v45, v15;
	vm1 =	vmneg vm15  }
0x171: {  	v28 =	vsel vm9, $0x4, v17;
	vm15 =	veq.s32 v32, $0x1;
	v1 =	vnsel vm1, $0x7, v42  }
0x172: {  	v47 =	vsel vm8, $0x5, v28;
	v55 =	vsel vm15, v57, v56;
	vm12 =	vne.s32 v1, $0x0  }
0x173: {  	v27 =	vnsel vm3, $0x6, v47;
	vm13 =	vne.s32 v1, $0x1;
	vm6 =	vmand vm6, vm12  }
0x174: {  	v47 =	vmul.f32 v31, v19;
	v27 =	vsel vm2, $0x7, v27;
	v3 =	vnsel vm6, $0xFF800000, v3  }
0x175: {  	vm12 =	veq.s32 v32, $0x2;
	vm11 =	veq.s32 v27, $0x1;
	vm14 =	vgt.f32 v4, v3  }
0x176: {  	v62 =	vsel vm12, v63, v55;
	vm15 =	veq.s32 v27, $0x2;
	vm6 =	vmand vm13, vm14  }
0x177: {  	vm12 =	veq.s32 v32, $0x3;
	v61 =	vsel vm11, v57, v56;
	v3 =	vsel vm6, v4, v3  }
0x178: {  	vm13 =	vne.s32 v1, $0x2;
	v14 =	vsel vm15, v63, v61;
	vm14 =	vgt.f32 v5, v3  }
0x179: {  	vm15 =	veq.s32 v27, $0x3;
	v4 =	vsel vm12, v54, v62;
	vm7 =	vmand vm13, vm14  }
0x17a: {  	v39 =	vld [tilespmem:$0x1FFE0];
	vm12 =	veq.s32 v32, $0x4;
	v28 =	vsel vm15, v54, v14;
	v3 =	vsel vm7, v5, v3  }
0x17b: {  	[tilespmem:s15+$0xFFFFFFD0] =	vst v0;
	v45 =	vld [tilespmem:$0x1FFF0];
	v43 =	vsel vm6, $0x1, v9;
	vm13 =	vne.s32 v1, $0x3;
	vm14 =	vgt.f32 v6, v3  }
0x17c: {  	[tilespmem:s15+$0xFFFFFF90] =	vst v22;
	v4 =	vsel vm12, v53, v4;
	vm12 =	veq.s32 v32, $0x5;
	vm8 =	vmand vm13, vm14  }
0x17d: {  	[tilespmem:s15+$0x10] =	vst v11;
	v54 =	vmul.f32 v8, v29;
	v35 =	vsel vm12, v52, v4;
	v3 =	vsel vm8, v6, v3  }
0x17e: {  	[tilespmem:s16+$0xFFFFFF90] =	vst v12;
	vm13 =	veq.s32 v27, $0x4;
	vm14 =	vne.s32 v1, $0x4;
	vm15 =	vgt.f32 v2, v3  }
0x17f: {  	[tilespmem:s16+$0x10] =	vst v39;
	v5 =	vsel vm13, v53, v28;
	vm13 =	veq.s32 v27, $0x5;
	vm9 =	vmand vm14, vm15  }
0x180: {  	v17 =	vld [tilespmem:$0x1FFD0];
	[tilespmem:s15+$0xFFFFFFA0] =	vst v23;
	v6 =	vmul.f32 v45, v19;
	v53 =	vmul.f32 v13, v24;
	v2 =	vsel vm9, v2, v3  }
0x181: {  	[tilespmem:s15+$0x20] =	vst v15;
	v42 =	vsel vm13, v52, v5;
	vm14 =	vne.s32 v1, $0x5;
	vm15 =	vgt.f32 v7, v2  }
0x182: {  	[tilespmem:s16+$0xFFFFFFA0] =	vst v16;
	v5 =	vsel vm7, $0x2, v43;
	vm13 =	vmor vm2, vm3;
	vm11 =	vmand vm14, vm15  }
0x183: {  	[tilespmem:s16+$0x20] =	vst v21;
	vm3 =	vmand vm5, vm1;
	v52 =	vmul.f32 v30, v24;
	v2 =	vsel vm11, v7, v2  }
0x184: {  	[tilespmem:s15+$0x30] =	vst v47;
	vm7 =	veq.s32 v1, $0x2;
	v5 =	vsel vm8, $0x3, v5;
	vm12 =	vgt.f32 v37, v2  }
0x185: {  	[tilespmem:s16+$0x0] =	vst v17;
	v4 =	vsel vm13, v42, v44;
	v3 =	vsel vm4, v44, v35;
	vm4 =	vmneg vm12  }
0x186: {  	[tilespmem:s15+$0x50] =	vst v54;
	vm13 =	veq.s32 v1, $0x5;
	v5 =	vsel vm9, $0x4, v5;
	vm4 =	vmor vm3, vm4  }
0x187: {  	[tilespmem:s16+$0xFFFFFFD0] =	vst v34;
	v55 =	vsel vm2, v36, v4;
	vm9 =	veq.s32 v1, $0x3;
	v2 =	vsel vm4, v2, v37  }
0x188: {  	[tilespmem:s16+$0x50] =	vst v60;
	v3 =	vsel vm0, v3, v36;
	v5 =	vsel vm11, $0x5, v5;
	vm14 =	vgt.f32 v10, v2  }
0x189: {  	[tilespmem:s15+$0xFFFFFFB0] =	vst v6;
	vm15 =	veq.s32 v1, $0x1;
	v5 =	vnsel vm4, $0x6, v5;
	vm5 =	vmand vm1, vm14  }
0x18a: {  	[tilespmem:s15+$0x40] =	vst v53;
	v3 =	vmul.f32 v3, v41;
	v56 =	vsel vm15, v59, v49;
	v5 =	vsel vm5, $0x7, v5  }
0x18b: {  	[tilespmem:s16+$0xFFFFFFB0] =	vst v20;
	vm11 =	veq.s32 v1, $0x4;
	v4 =	vsel vm7, v58, v56;
	vm6 =	veq.s32 v5, $0x1  }
0x18c: {  	[tilespmem:s16+$0x30] =	vst v25;
	v2 =	vmul.f32 v55, v41;
	vm8 =	veq.s32 v5, $0x2;
	v57 =	vsel vm6, v59, v49  }
0x18d: {  	[tilespmem:s15+$0xFFFFFFC0] =	vst v52;
	vm10 =	veq.s32 v5, $0x3;
	v59 =	vsel vm9, v51, v4;
	v6 =	vsel vm8, v58, v57  }
0x18e: {  	[tilespmem:s16+$0xFFFFFFC0] =	vst v26;
	vm12 =	veq.s32 v5, $0x4;
	v0 =	vsel vm11, v50, v59;
	v61 =	vsel vm10, v51, v6  }
0x18f: {  	[tilespmem:s16+$0x40] =	vst v38;
	vm14 =	veq.s32 v5, $0x5;
	v0 =	vsel vm13, v46, v0;
	v4 =	vsel vm12, v50, v61  }
0x190: {  	[tilespmem:s15+$0xFFFFFFE0] =	vst v3;
	vm15 =	vmor vm5, vm4;
	v0 =	vsel vm3, v48, v0;
	v62 =	vsel vm14, v46, v4  }
0x191: {  	s13 =	sadd.s32 $0x8, s13;
	[tilespmem:s15+$0x60] =	vst v2;
	v0 =	vsel vm1, v0, v33;
	v63 =	vsel vm15, v62, v48  }
0x192: {  	p0 =	slt.u32 s13, $0x38;
	[tilespmem:s16+$0xFFFFFFE0] =	vst v32;
	v0 =	vmul.f32 v0, v40;
	v2 =	vsel vm5, v33, v63  }
.Ltmp0:
0x193: {  	[tilespmem:s16+$0x60] =	vst v27;
	v2 =	vmul.f32 v2, v40;
	(pc) =	sbr.rel @p0 .LBB2_2-.Ltmp0, $4  }
0x194: {  	[tilespmem:s15+$0xFFFFFFF0] =	vst v0  }
0x195: {  	[tilespmem:s15+$0x70] =	vst v2  }
0x196: {  	[tilespmem:s16+$0xFFFFFFF0] =	vst v1  }
0x197: {  	s14 =	sadd.s32 $0x400, s14;
	s15 =	sadd.s32 $0x100, s15;
	[tilespmem:s16+$0x70] =	vst v5;
	s16 =	sadd.s32 $0x100, s16  }
0x198: {  	[hbm4b:s5+s2] =	stream.linear.scatter [tilespmem:s10], [sflag:$0x1], $0x800, $0x38;
	[tilespmem:$0x3400] =	vst v63  }
0x199: {  	s12 =	sadd.s32 $0x1, s12;
	_ =	swait.ge [sflag:s8], $0x800  }
0x19a: {  	p0 =	sne.s32 s12, s7;
	[sflag:s8] =	ssyncset.done $0x0  }
.Ltmp1:
0x19b: {  	[sflag:s8] =	ssyncadd.s32 $0xFFFFF800;
	(pc) =	sbr.rel @p0 .LBB2_1-.Ltmp1, $4  }
0x19c: {  	[hbm4b:s6+s2] =	stream.linear.scatter [tilespmem:s11], [sflag:$0x1], $0x800, $0x38;
	[tilespmem:$0x3400] =	vst v63  }
0x19d: {  	_ =	swait.ge [sflag:s8], $0x800  }
0x19e: {  	[sflag:s8] =	ssyncset.done $0x0  }
0x19f: {  	[sflag:s8] =	ssyncadd.s32 $0xFFFFF800  }
0x1a0: {  	_ =	sfence.sel $0x180000  }
0x1a1: {  	[bflag:$0x0] =	sbarrier.arrive $0xFFFF  }
0x1a2: {  	p0 =	sne.s32 s1, $0x0;
	_ =	strace $0x90000047  }
0x1a3: {  	s0 =	sadd.s32 @!p0 $0x100000, s0;
	[bflag:$0x2] =	sbarrier.arrive $0xFFFF  }
0x1a4: {  	[sflag:s0] =	ssyncadd.tile.s32 @!p0 $0x1;
	_ =	shalt  }
.Lfunc_end2:
_tile_overlayer_lowered:
.L_overlay_start_2:
0x1a5: {  	(tag) =	ssettag $0x2  }
0x1a6: {  	s0 =	rddreg [dreg:$0x0];
	s2 =	stileid.u32  }
0x1a7: {  	s1 =	rddreg [dreg:$0x1];
	p0 =	sne.s32 s2, $0x0  }
0x1a8: {  	s3 =	rddreg [dreg:$0x2];
	[bflag:$0x3] =	sbarrier.arrive $0xFFFF;
	s2 =	simm.s32 @!p0 $0x1C01  }
0x1a9: {  	[timem:s3], [sflag:s2] =	dma.local @!p0 [hbm:s0], s1  }
0x1aa: {  	s0 =	simm.s32 @!p0 $0x1  }
0x1ab: {  	_ =	swait.ge @!p0 [sflag:s0], s1  }
0x1ac: {  	s1 =	ssub.s32 @!p0 $0x0, s1;
	[sflag:s0] =	ssyncset.done @!p0 $0x0  }
0x1ad: {  	[sflag:s0] =	ssyncadd.s32 @!p0 s1  }
0x1ae: {  	[bflag:$0x3] =	sbarrier.arrive $0xFFFF  }
0x1af: {  	_ =	shalt  }

</sc_bundles>
